<compile_context>
chip_gen: v7x
topology: tpu7x:2x2x1
jax: 0.10.2.dev20260603
libtpu: 0.0.44.dev20260713+nightly
codegen_flags: <defaults>
</compile_context>

<pallas_src>
import functools

import jax
import jax.numpy as jnp
from jax import lax
from jax.experimental import pallas as pl
from jax.experimental.pallas import tpu as pltpu
from jax.experimental.pallas import tpu_sc as plsc

_NC = 2
_NS = 16
_NWK = _NC * _NS
_R = 64


def _sc_body(b_total, m, w_hbm, p_hbm, prev_hbm, link_hbm, prec_hbm,
             w_v, p_v, in_buf, out_buf, prec_buf):
    wid = lax.axis_index("s") * _NC + lax.axis_index("c")
    bpw = b_total // _NWK
    nchunk = m // _R
    nvec = m // 16

    def batch_body(bi, _):
        b = wid * bpw + bi
        pltpu.sync_copy(w_hbm.at[b], w_v)
        pltpu.sync_copy(p_hbm.at[b], p_v)

        def chunk_body(c, _):
            pltpu.sync_copy(prev_hbm.at[b, pl.ds(c * _R, _R)], in_buf)

            def row_body(i, _):
                gi = c * _R + i
                base = (gi // 16) * 16
                lane = gi - base
                wrow = w_v[pl.ds(base, 16)]
                lanev = jnp.zeros((16,), jnp.int32) + lane
                wi = wrow.at[lanev].get(mode="promise_in_bounds")
                for j in range(nvec):
                    sl = pl.ds(j * 16, 16)
                    val = (1.0 - wi - w_v[sl]) * in_buf[i, sl] + wi * p_v[sl]
                    jj = lax.iota(jnp.int32, 16) + (j * 16)
                    out_buf[i, sl] = jnp.where(jj == gi, 0.0, val)
                return 0

            lax.fori_loop(0, _R, row_body, 0)
            pltpu.sync_copy(out_buf, link_hbm.at[b, pl.ds(c * _R, _R)])
            return 0

        lax.fori_loop(0, nchunk, chunk_body, 0)

        def sum_body(j, acc):
            return acc + w_v[pl.ds(j * 16, 16)]

        acc = lax.fori_loop(0, nvec, sum_body, jnp.zeros((16,), jnp.float32))
        ii16 = lax.iota(jnp.int32, 16)
        for s in (8, 4, 2, 1):
            acc = acc + acc.at[ii16 ^ s].get(mode="promise_in_bounds")
        coef = 1.0 - acc
        for j in range(nvec):
            sl = pl.ds(j * 16, 16)
            prec_buf[sl] = coef * p_v[sl] + w_v[sl]
        pltpu.sync_copy(prec_buf, prec_hbm.at[b])
        return 0

    lax.fori_loop(0, bpw, batch_body, 0)


def kernel(write_weights, prev_link, precedence_weights):
    b, nw, m = write_weights.shape
    w2 = write_weights.reshape(b, m)
    p2 = precedence_weights.reshape(b, m)
    prev3 = prev_link.reshape(b, m, m)

    mesh = plsc.VectorSubcoreMesh(core_axis_name="c", subcore_axis_name="s")
    sc = pl.kernel(
        functools.partial(_sc_body, b, m),
        mesh=mesh,
        out_type=[
            jax.ShapeDtypeStruct((b, m, m), jnp.float32),
            jax.ShapeDtypeStruct((b, m), jnp.float32),
        ],
        scratch_types=[
            pltpu.VMEM((m,), jnp.float32),
            pltpu.VMEM((m,), jnp.float32),
            pltpu.VMEM((_R, m), jnp.float32),
            pltpu.VMEM((_R, m), jnp.float32),
            pltpu.VMEM((m,), jnp.float32),
        ],
    )
    link3, prec2 = sc(w2, p2, prev3)
    return (link3.reshape(b, nw, m, m), prec2.reshape(b, nw, m))

# --- scband reference (transcript-rebuilt; emitter-appended) ---
"""Pipeline reference for scband-linkage-1176821039587 (READ-ONLY COPY).

The authoritative reference and input builder live on the scoring server;
editing this copy changes nothing except your own understanding.
"""

import jax, jax.numpy as jnp
import numpy as np

B = 256
NW = 1
M = 512

def setup_inputs(seed: int = 0) -> dict:
    key = jax.random.key(seed)
    k1, k2, k3 = jax.random.split(key, 3)
    write_weights = jax.random.uniform(k1, (B, NW, M), dtype=jnp.float32)
    prev_link = jax.random.uniform(k2, (B, NW, M, M), dtype=jnp.float32)
    precedence_weights = jax.random.uniform(k3, (B, NW, M), dtype=jnp.float32)
    return {
        "write_weights": write_weights,
        "prev_link": prev_link,
        "precedence_weights": precedence_weights,
    }

def reference(write_weights, prev_link, precedence_weights):
    # _link: new link graph computation
    write_weights_i = write_weights[:, :, :, None]          # [B, NW, M, 1]
    write_weights_j = write_weights[:, :, None, :]          # [B, NW, 1, M]
    prev_precedence_weights_j = precedence_weights[:, :, None, :]  # [B, NW, 1, M]
    prev_link_scale = 1.0 - write_weights_i - write_weights_j
    new_link = write_weights_i * prev_precedence_weights_j
    link = prev_link_scale * prev_link + new_link
    # scatter_(-1, arange diag idxs, 0) -> zero the self-link diagonal
    diag = jnp.arange(M)
    link = link.at[:, :, diag, diag].set(0.0)
    # precedence weights update
    write_sum = jnp.sum(write_weights, axis=2, keepdims=True)
    new_precedence = (1.0 - write_sum) * precedence_weights + write_weights
    return (link, new_precedence)

if __name__ == "__main__":
    import jax
    _d = setup_inputs()
    print(jax.jit(kernel)(*tuple(_d.values())))

</pallas_src>

<mosaic_0001>
#map = affine_map<(d0, d1) -> (0, 0)>
#map1 = affine_map<(d0, d1) -> (0, 0, 0)>
module attributes {stable_mosaic.version = 14 : i64} {
  func.func @_sc_body(%arg0: i32, %arg1: i32, %arg2: memref<256x512xf32, #tpu.memory_space<hbm>>, %arg3: memref<256x512xf32, #tpu.memory_space<hbm>>, %arg4: memref<256x512x512xf32, #tpu.memory_space<hbm>>, %arg5: memref<256x512x512xf32, #tpu.memory_space<hbm>>, %arg6: memref<256x512xf32, #tpu.memory_space<hbm>>, %arg7: memref<512xf32, #tpu.memory_space<vmem>>, %arg8: memref<512xf32, #tpu.memory_space<vmem>>, %arg9: memref<64x512xf32, #tpu.memory_space<vmem>>, %arg10: memref<64x512xf32, #tpu.memory_space<vmem>>, %arg11: memref<512xf32, #tpu.memory_space<vmem>>) attributes {dimension_semantics = [#tpu.dimension_semantics<core_parallel>, #tpu.dimension_semantics<subcore_parallel>], iteration_bounds = array<i64: 2, 16>, scalar_prefetch = 0 : i64, scratch_operands = 5 : i64, tpu.core_type = #tpu.core_type<sc_vector_subcore>, window_params = [{transform_indices = #map}, {transform_indices = #map}, {transform_indices = #map1}, {transform_indices = #map1}, {transform_indices = #map}]} {
    %mul3A = arith.constant 2 : i32
    %mul3A_0 = arith.muli %arg1, %mul3A : i32
    %add3A = arith.addi %mul3A_0, %arg0 : i32
    %scan3A = arith.constant 0 : i32
    %scan3A_1 = arith.constant 0 : i32
    %scan3A_2 = arith.constant 8 : i32
    %scan3A_3 = arith.addi %scan3A_1, %scan3A_2 : i32
    %scan3A_4 = arith.constant 1 : i32
    %scan3A_5 = scf.for %scan3A_7 = %scan3A_1 to %scan3A_3 step %scan3A_4 iter_args(%scan3A_8 = %scan3A) -> (i32)  : i32 {
      %mul3A_9 = arith.constant 8 : i32
      %mul3A_10 = arith.muli %add3A, %mul3A_9 : i32
      %add3A_11 = arith.addi %mul3A_10, %scan3A_7 : i32
      "tpu.region"() ({
        %run_scoped3A = tpu.sem_alloc : memref<!tpu.dma_semaphore, #tpu.memory_space<semaphore_mem>>
        %dma_start3A = arith.constant 0 : i32
        %dma_start3A_463 = tpu.memref_slice %arg2[%add3A_11, %dma_start3A] : memref<256x512xf32, #tpu.memory_space<hbm>> -> memref<1x512xf32, #tpu.memory_space<hbm>>
        %dma_start3A_464 = tpu.memref_squeeze %dma_start3A_463 : memref<1x512xf32, #tpu.memory_space<hbm>> -> memref<512xf32, #tpu.memory_space<hbm>>
        %dma_start3A_465 = arith.constant 0 : i32
        %dma_start3A_466 = tpu.memref_slice %arg2[%add3A_11, %dma_start3A_465] : memref<256x512xf32, #tpu.memory_space<hbm>> -> memref<1x512xf32, #tpu.memory_space<hbm>>
        %dma_start3A_467 = tpu.memref_squeeze %dma_start3A_466 : memref<1x512xf32, #tpu.memory_space<hbm>> -> memref<512xf32, #tpu.memory_space<hbm>>
        tpu.enqueue_dma source(%dma_start3A_467 : memref<512xf32, #tpu.memory_space<hbm>>) target(%arg7 : memref<512xf32, #tpu.memory_space<vmem>>) target_semaphore(%run_scoped3A : memref<!tpu.dma_semaphore, #tpu.memory_space<semaphore_mem>>)
        %dma_wait3A = arith.constant 0 : i32
        %dma_wait3A_468 = tpu.memref_slice %arg2[%add3A_11, %dma_wait3A] : memref<256x512xf32, #tpu.memory_space<hbm>> -> memref<1x512xf32, #tpu.memory_space<hbm>>
        %dma_wait3A_469 = tpu.memref_squeeze %dma_wait3A_468 : memref<1x512xf32, #tpu.memory_space<hbm>> -> memref<512xf32, #tpu.memory_space<hbm>>
        %dma_wait3A_470 = arith.constant 0 : i32
        %dma_wait3A_471 = tpu.memref_slice %arg2[%add3A_11, %dma_wait3A_470] : memref<256x512xf32, #tpu.memory_space<hbm>> -> memref<1x512xf32, #tpu.memory_space<hbm>>
        %dma_wait3A_472 = tpu.memref_squeeze %dma_wait3A_471 : memref<1x512xf32, #tpu.memory_space<hbm>> -> memref<512xf32, #tpu.memory_space<hbm>>
        tpu.wait_dma2 semaphore(%run_scoped3A : memref<!tpu.dma_semaphore, #tpu.memory_space<semaphore_mem>>) src(%dma_wait3A_472 : memref<512xf32, #tpu.memory_space<hbm>>) dst(%arg7 : memref<512xf32, #tpu.memory_space<vmem>>)
        tpu.yield
      }) : () -> ()
      "tpu.region"() ({
        %run_scoped3A = tpu.sem_alloc : memref<!tpu.dma_semaphore, #tpu.memory_space<semaphore_mem>>
        %dma_start3A = arith.constant 0 : i32
        %dma_start3A_463 = tpu.memref_slice %arg3[%add3A_11, %dma_start3A] : memref<256x512xf32, #tpu.memory_space<hbm>> -> memref<1x512xf32, #tpu.memory_space<hbm>>
        %dma_start3A_464 = tpu.memref_squeeze %dma_start3A_463 : memref<1x512xf32, #tpu.memory_space<hbm>> -> memref<512xf32, #tpu.memory_space<hbm>>
        %dma_start3A_465 = arith.constant 0 : i32
        %dma_start3A_466 = tpu.memref_slice %arg3[%add3A_11, %dma_start3A_465] : memref<256x512xf32, #tpu.memory_space<hbm>> -> memref<1x512xf32, #tpu.memory_space<hbm>>
        %dma_start3A_467 = tpu.memref_squeeze %dma_start3A_466 : memref<1x512xf32, #tpu.memory_space<hbm>> -> memref<512xf32, #tpu.memory_space<hbm>>
        tpu.enqueue_dma source(%dma_start3A_467 : memref<512xf32, #tpu.memory_space<hbm>>) target(%arg8 : memref<512xf32, #tpu.memory_space<vmem>>) target_semaphore(%run_scoped3A : memref<!tpu.dma_semaphore, #tpu.memory_space<semaphore_mem>>)
        %dma_wait3A = arith.constant 0 : i32
        %dma_wait3A_468 = tpu.memref_slice %arg3[%add3A_11, %dma_wait3A] : memref<256x512xf32, #tpu.memory_space<hbm>> -> memref<1x512xf32, #tpu.memory_space<hbm>>
        %dma_wait3A_469 = tpu.memref_squeeze %dma_wait3A_468 : memref<1x512xf32, #tpu.memory_space<hbm>> -> memref<512xf32, #tpu.memory_space<hbm>>
        %dma_wait3A_470 = arith.constant 0 : i32
        %dma_wait3A_471 = tpu.memref_slice %arg3[%add3A_11, %dma_wait3A_470] : memref<256x512xf32, #tpu.memory_space<hbm>> -> memref<1x512xf32, #tpu.memory_space<hbm>>
        %dma_wait3A_472 = tpu.memref_squeeze %dma_wait3A_471 : memref<1x512xf32, #tpu.memory_space<hbm>> -> memref<512xf32, #tpu.memory_space<hbm>>
        tpu.wait_dma2 semaphore(%run_scoped3A : memref<!tpu.dma_semaphore, #tpu.memory_space<semaphore_mem>>) src(%dma_wait3A_472 : memref<512xf32, #tpu.memory_space<hbm>>) dst(%arg8 : memref<512xf32, #tpu.memory_space<vmem>>)
        tpu.yield
      }) : () -> ()
      %scan3A_12 = arith.constant 0 : i32
      %scan3A_13 = arith.constant 0 : i32
      %scan3A_14 = arith.constant 8 : i32
      %scan3A_15 = arith.addi %scan3A_13, %scan3A_14 : i32
      %scan3A_16 = arith.constant 1 : i32
      %scan3A_17 = scf.for %scan3A_463 = %scan3A_13 to %scan3A_15 step %scan3A_16 iter_args(%scan3A_464 = %scan3A_12) -> (i32)  : i32 {
        %mul3A_465 = arith.constant 64 : i32
        %mul3A_466 = arith.muli %scan3A_463, %mul3A_465 : i32
        "tpu.region"() ({
          %run_scoped3A = tpu.sem_alloc : memref<!tpu.dma_semaphore, #tpu.memory_space<semaphore_mem>>
          %dma_start3A = arith.constant 0 : i32
          %dma_start3A_477 = tpu.memref_slice %arg4[%add3A_11, %mul3A_466, %dma_start3A] : memref<256x512x512xf32, #tpu.memory_space<hbm>> -> memref<1x64x512xf32, #tpu.memory_space<hbm>>
          %dma_start3A_478 = tpu.memref_squeeze %dma_start3A_477 : memref<1x64x512xf32, #tpu.memory_space<hbm>> -> memref<64x512xf32, #tpu.memory_space<hbm>>
          %dma_start3A_479 = arith.constant 0 : i32
          %dma_start3A_480 = tpu.memref_slice %arg4[%add3A_11, %mul3A_466, %dma_start3A_479] : memref<256x512x512xf32, #tpu.memory_space<hbm>> -> memref<1x64x512xf32, #tpu.memory_space<hbm>>
          %dma_start3A_481 = tpu.memref_squeeze %dma_start3A_480 : memref<1x64x512xf32, #tpu.memory_space<hbm>> -> memref<64x512xf32, #tpu.memory_space<hbm>>
          tpu.enqueue_dma source(%dma_start3A_481 : memref<64x512xf32, #tpu.memory_space<hbm>>) target(%arg9 : memref<64x512xf32, #tpu.memory_space<vmem>>) target_semaphore(%run_scoped3A : memref<!tpu.dma_semaphore, #tpu.memory_space<semaphore_mem>>)
          %dma_wait3A = arith.constant 0 : i32
          %dma_wait3A_482 = tpu.memref_slice %arg4[%add3A_11, %mul3A_466, %dma_wait3A] : memref<256x512x512xf32, #tpu.memory_space<hbm>> -> memref<1x64x512xf32, #tpu.memory_space<hbm>>
          %dma_wait3A_483 = tpu.memref_squeeze %dma_wait3A_482 : memref<1x64x512xf32, #tpu.memory_space<hbm>> -> memref<64x512xf32, #tpu.memory_space<hbm>>
          %dma_wait3A_484 = arith.constant 0 : i32
          %dma_wait3A_485 = tpu.memref_slice %arg4[%add3A_11, %mul3A_466, %dma_wait3A_484] : memref<256x512x512xf32, #tpu.memory_space<hbm>> -> memref<1x64x512xf32, #tpu.memory_space<hbm>>
          %dma_wait3A_486 = tpu.memref_squeeze %dma_wait3A_485 : memref<1x64x512xf32, #tpu.memory_space<hbm>> -> memref<64x512xf32, #tpu.memory_space<hbm>>
          tpu.wait_dma2 semaphore(%run_scoped3A : memref<!tpu.dma_semaphore, #tpu.memory_space<semaphore_mem>>) src(%dma_wait3A_486 : memref<64x512xf32, #tpu.memory_space<hbm>>) dst(%arg9 : memref<64x512xf32, #tpu.memory_space<vmem>>)
          tpu.yield
        }) : () -> ()
        %scan3A_467 = arith.constant 0 : i32
        %scan3A_468 = arith.constant 0 : i32
        %scan3A_469 = arith.constant 64 : i32
        %scan3A_470 = arith.addi %scan3A_468, %scan3A_469 : i32
        %scan3A_471 = arith.constant 1 : i32
        %scan3A_472 = scf.for %scan3A_477 = %scan3A_468 to %scan3A_470 step %scan3A_471 iter_args(%scan3A_478 = %scan3A_467) -> (i32)  : i32 {
          %mul3A_479 = arith.constant 64 : i32
          %mul3A_480 = arith.muli %scan3A_463, %mul3A_479 : i32
          %add3A_481 = arith.addi %mul3A_480, %scan3A_477 : i32
          %jit3A = arith.constant 16 : i32
          %div3A = arith.divsi %add3A_481, %jit3A : i32
          %sign3A = arith.constant 0 : i32
          %sign3A_482 = arith.cmpi sgt, %add3A_481, %sign3A : i32
          %sign3A_483 = arith.extui %sign3A_482 : i1 to i32
          %sign3A_484 = arith.constant 0 : i32
          %sign3A_485 = arith.cmpi slt, %add3A_481, %sign3A_484 : i32
          %sign3A_486 = arith.extui %sign3A_485 : i1 to i32
          %sign3A_487 = arith.subi %sign3A_483, %sign3A_486 : i32
          %sign3A_488 = arith.constant 0 : i32
          %sign3A_489 = arith.cmpi sgt, %jit3A, %sign3A_488 : i32
          %sign3A_490 = arith.extui %sign3A_489 : i1 to i32
          %sign3A_491 = arith.constant 0 : i32
          %sign3A_492 = arith.cmpi slt, %jit3A, %sign3A_491 : i32
          %sign3A_493 = arith.extui %sign3A_492 : i1 to i32
          %sign3A_494 = arith.subi %sign3A_490, %sign3A_493 : i32
          %ne3A = arith.cmpi ne, %sign3A_487, %sign3A_494 : i32
          %rem3A = arith.remsi %add3A_481, %jit3A : i32
          %ne3A_495 = arith.constant 0 : i32
          %ne3A_496 = arith.cmpi ne, %rem3A, %ne3A_495 : i32
          %and3A = arith.andi %ne3A, %ne3A_496 : i1
          %sub3A_497 = arith.constant 1 : i32
          %sub3A_498 = arith.subi %div3A, %sub3A_497 : i32
          %select_n3A_499 = arith.select %and3A, %sub3A_498, %div3A : i32
          %mul3A_500 = arith.constant 16 : i32
          %mul3A_501 = arith.muli %select_n3A_499, %mul3A_500 : i32
          %sub3A_502 = arith.subi %add3A_481, %mul3A_501 : i32
          %get3A_503 = arith.index_cast %mul3A_501 : i32 to index
          %get3A_504 = tpu.vector_load %arg7[%get3A_503] {strides = array<i32>} : memref<512xf32, #tpu.memory_space<vmem>>, vector<16xf32>,
          %get3A_505 = vector.shape_cast %get3A_504 : vector<16xf32> to vector<16xf32>
          %broadcast_in_dim3A_506 = arith.constant 0 : i32
          %broadcast_in_dim3A_507 = vector.broadcast %broadcast_in_dim3A_506 : i32 to vector<16xi32>
          %add3A_508 = vector.broadcast %sub3A_502 : i32 to vector<16xi32>
          %add3A_509 = arith.addi %broadcast_in_dim3A_507, %add3A_508 : vector<16xi32>
          %lt3A_510 = arith.constant 0 : i32
          %lt3A_511 = vector.broadcast %lt3A_510 : i32 to vector<16xi32>
          %lt3A_512 = arith.cmpi slt, %add3A_509, %lt3A_511 : vector<16xi32>
          %add3A_513 = arith.constant 16 : i32
          %add3A_514 = vector.broadcast %add3A_513 : i32 to vector<16xi32>
          %add3A_515 = arith.addi %add3A_509, %add3A_514 : vector<16xi32>
          %select_n3A_516 = arith.select %lt3A_512, %add3A_515, %add3A_509 : vector<16xi1>, vector<16xi32>
          %broadcast_in_dim3A_517 = vector.shape_cast %select_n3A_516 : vector<16xi32> to vector<16x1xi32>
          %gather3A_518 = vector.shape_cast %broadcast_in_dim3A_517 : vector<16x1xi32> to vector<16xi32>
          %gather3A_519 = tpu.dynamic_gather %get3A_505[%gather3A_518] in [0] : vector<16xf32>, vector<16xi32> -> vector<16xf32>
          %sub3A_520 = arith.constant 1.000000e+00 : f32
          %sub3A_521 = vector.broadcast %sub3A_520 : f32 to vector<16xf32>
          %sub3A_522 = arith.subf %sub3A_521, %gather3A_519 : vector<16xf32>
          %get3A_523 = arith.constant 0 : index
          %get3A_524 = tpu.vector_load %arg7[%get3A_523] {strides = array<i32>} : memref<512xf32, #tpu.memory_space<vmem>>, vector<16xf32>,
          %get3A_525 = vector.shape_cast %get3A_524 : vector<16xf32> to vector<16xf32>
          %sub3A_526 = arith.subf %sub3A_522, %get3A_525 : vector<16xf32>
          %get3A_527 = arith.index_cast %scan3A_477 : i32 to index
          %get3A_528 = arith.constant 0 : index
          %get3A_529 = tpu.vector_load %arg9[%get3A_527, %get3A_528] {strides = array<i32>} : memref<64x512xf32, #tpu.memory_space<vmem>>, vector<1x16xf32>,
          %get3A_530 = vector.shape_cast %get3A_529 : vector<1x16xf32> to vector<16xf32>
          %mul3A_531 = arith.mulf %sub3A_526, %get3A_530 : vector<16xf32>
          %get3A_532 = arith.constant 0 : index
          %get3A_533 = tpu.vector_load %arg8[%get3A_532] {strides = array<i32>} : memref<512xf32, #tpu.memory_space<vmem>>, vector<16xf32>,
          %get3A_534 = vector.shape_cast %get3A_533 : vector<16xf32> to vector<16xf32>
          %mul3A_535 = arith.mulf %gather3A_519, %get3A_534 : vector<16xf32>
          %add3A_536 = arith.addf %mul3A_531, %mul3A_535 : vector<16xf32>
          %iota3A_537 = tpu.iota {dimensions = array<i32: 0>} : vector<16xi32>
          %add3A_538 = arith.constant 0 : i32
          %add3A_539 = vector.broadcast %add3A_538 : i32 to vector<16xi32>
          %add3A_540 = arith.addi %iota3A_537, %add3A_539 : vector<16xi32>
          %eq3A = vector.broadcast %add3A_481 : i32 to vector<16xi32>
          %eq3A_541 = arith.cmpi eq, %add3A_540, %eq3A : vector<16xi32>
          %jit3A_542 = arith.constant 0.000000e+00 : f32
          %broadcast_in_dim3A_543 = vector.broadcast %jit3A_542 : f32 to vector<16xf32>
          %select_n3A_544 = arith.select %eq3A_541, %broadcast_in_dim3A_543, %add3A_536 : vector<16xi1>, vector<16xf32>
          %swap3A_545 = arith.index_cast %scan3A_477 : i32 to index
          %swap3A_546 = arith.constant 0 : index
          %swap3A_547 = tpu.vector_load %arg10[%swap3A_545, %swap3A_546] {strides = array<i32>} : memref<64x512xf32, #tpu.memory_space<vmem>>, vector<1x16xf32>,
          %swap3A_548 = vector.shape_cast %swap3A_547 : vector<1x16xf32> to vector<16xf32>
          %swap3A_549 = vector.shape_cast %select_n3A_544 : vector<16xf32> to vector<1x16xf32>
          tpu.vector_store %arg10[%swap3A_545, %swap3A_546], %swap3A_549 {strides = array<i32>} : memref<64x512xf32, #tpu.memory_space<vmem>>, vector<1x16xf32>,
          %sub3A_550 = arith.constant 1.000000e+00 : f32
          %sub3A_551 = vector.broadcast %sub3A_550 : f32 to vector<16xf32>
          %sub3A_552 = arith.subf %sub3A_551, %gather3A_519 : vector<16xf32>
          %get3A_553 = arith.constant 16 : index
          %get3A_554 = tpu.vector_load %arg7[%get3A_553] {strides = array<i32>} : memref<512xf32, #tpu.memory_space<vmem>>, vector<16xf32>,
          %get3A_555 = vector.shape_cast %get3A_554 : vector<16xf32> to vector<16xf32>
          %sub3A_556 = arith.subf %sub3A_552, %get3A_555 : vector<16xf32>
          %get3A_557 = arith.index_cast %scan3A_477 : i32 to index
          %get3A_558 = arith.constant 16 : index
          %get3A_559 = tpu.vector_load %arg9[%get3A_557, %get3A_558] {strides = array<i32>} : memref<64x512xf32, #tpu.memory_space<vmem>>, vector<1x16xf32>,
          %get3A_560 = vector.shape_cast %get3A_559 : vector<1x16xf32> to vector<16xf32>
          %mul3A_561 = arith.mulf %sub3A_556, %get3A_560 : vector<16xf32>
          %get3A_562 = arith.constant 16 : index
          %get3A_563 = tpu.vector_load %arg8[%get3A_562] {strides = array<i32>} : memref<512xf32, #tpu.memory_space<vmem>>, vector<16xf32>,
          %get3A_564 = vector.shape_cast %get3A_563 : vector<16xf32> to vector<16xf32>
          %mul3A_565 = arith.mulf %gather3A_519, %get3A_564 : vector<16xf32>
          %add3A_566 = arith.addf %mul3A_561, %mul3A_565 : vector<16xf32>
          %iota3A_567 = tpu.iota {dimensions = array<i32: 0>} : vector<16xi32>
          %add3A_568 = arith.constant 16 : i32
          %add3A_569 = vector.broadcast %add3A_568 : i32 to vector<16xi32>
          %add3A_570 = arith.addi %iota3A_567, %add3A_569 : vector<16xi32>
          %eq3A_571 = vector.broadcast %add3A_481 : i32 to vector<16xi32>
          %eq3A_572 = arith.cmpi eq, %add3A_570, %eq3A_571 : vector<16xi32>
          %jit3A_573 = arith.constant 0.000000e+00 : f32
          %broadcast_in_dim3A_574 = vector.broadcast %jit3A_573 : f32 to vector<16xf32>
          %select_n3A_575 = arith.select %eq3A_572, %broadcast_in_dim3A_574, %add3A_566 : vector<16xi1>, vector<16xf32>
          %swap3A_576 = arith.index_cast %scan3A_477 : i32 to index
          %swap3A_577 = arith.constant 16 : index
          %swap3A_578 = tpu.vector_load %arg10[%swap3A_576, %swap3A_577] {strides = array<i32>} : memref<64x512xf32, #tpu.memory_space<vmem>>, vector<1x16xf32>,
          %swap3A_579 = vector.shape_cast %swap3A_578 : vector<1x16xf32> to vector<16xf32>
          %swap3A_580 = vector.shape_cast %select_n3A_575 : vector<16xf32> to vector<1x16xf32>
          tpu.vector_store %arg10[%swap3A_576, %swap3A_577], %swap3A_580 {strides = array<i32>} : memref<64x512xf32, #tpu.memory_space<vmem>>, vector<1x16xf32>,
          %sub3A_581 = arith.constant 1.000000e+00 : f32
          %sub3A_582 = vector.broadcast %sub3A_581 : f32 to vector<16xf32>
          %sub3A_583 = arith.subf %sub3A_582, %gather3A_519 : vector<16xf32>
          %get3A_584 = arith.constant 32 : index
          %get3A_585 = tpu.vector_load %arg7[%get3A_584] {strides = array<i32>} : memref<512xf32, #tpu.memory_space<vmem>>, vector<16xf32>,
          %get3A_586 = vector.shape_cast %get3A_585 : vector<16xf32> to vector<16xf32>
          %sub3A_587 = arith.subf %sub3A_583, %get3A_586 : vector<16xf32>
          %get3A_588 = arith.index_cast %scan3A_477 : i32 to index
          %get3A_589 = arith.constant 32 : index
          %get3A_590 = tpu.vector_load %arg9[%get3A_588, %get3A_589] {strides = array<i32>} : memref<64x512xf32, #tpu.memory_space<vmem>>, vector<1x16xf32>,
          %get3A_591 = vector.shape_cast %get3A_590 : vector<1x16xf32> to vector<16xf32>
          %mul3A_592 = arith.mulf %sub3A_587, %get3A_591 : vector<16xf32>
          %get3A_593 = arith.constant 32 : index
          %get3A_594 = tpu.vector_load %arg8[%get3A_593] {strides = array<i32>} : memref<512xf32, #tpu.memory_space<vmem>>, vector<16xf32>,
          %get3A_595 = vector.shape_cast %get3A_594 : vector<16xf32> to vector<16xf32>
          %mul3A_596 = arith.mulf %gather3A_519, %get3A_595 : vector<16xf32>
          %add3A_597 = arith.addf %mul3A_592, %mul3A_596 : vector<16xf32>
          %iota3A_598 = tpu.iota {dimensions = array<i32: 0>} : vector<16xi32>
          %add3A_599 = arith.constant 32 : i32
          %add3A_600 = vector.broadcast %add3A_599 : i32 to vector<16xi32>
          %add3A_601 = arith.addi %iota3A_598, %add3A_600 : vector<16xi32>
          %eq3A_602 = vector.broadcast %add3A_481 : i32 to vector<16xi32>
          %eq3A_603 = arith.cmpi eq, %add3A_601, %eq3A_602 : vector<16xi32>
          %jit3A_604 = arith.constant 0.000000e+00 : f32
          %broadcast_in_dim3A_605 = vector.broadcast %jit3A_604 : f32 to vector<16xf32>
          %select_n3A_606 = arith.select %eq3A_603, %broadcast_in_dim3A_605, %add3A_597 : vector<16xi1>, vector<16xf32>
          %swap3A_607 = arith.index_cast %scan3A_477 : i32 to index
          %swap3A_608 = arith.constant 32 : index
          %swap3A_609 = tpu.vector_load %arg10[%swap3A_607, %swap3A_608] {strides = array<i32>} : memref<64x512xf32, #tpu.memory_space<vmem>>, vector<1x16xf32>,
          %swap3A_610 = vector.shape_cast %swap3A_609 : vector<1x16xf32> to vector<16xf32>
          %swap3A_611 = vector.shape_cast %select_n3A_606 : vector<16xf32> to vector<1x16xf32>
          tpu.vector_store %arg10[%swap3A_607, %swap3A_608], %swap3A_611 {strides = array<i32>} : memref<64x512xf32, #tpu.memory_space<vmem>>, vector<1x16xf32>,
          %sub3A_612 = arith.constant 1.000000e+00 : f32
          %sub3A_613 = vector.broadcast %sub3A_612 : f32 to vector<16xf32>
          %sub3A_614 = arith.subf %sub3A_613, %gather3A_519 : vector<16xf32>
          %get3A_615 = arith.constant 48 : index
          %get3A_616 = tpu.vector_load %arg7[%get3A_615] {strides = array<i32>} : memref<512xf32, #tpu.memory_space<vmem>>, vector<16xf32>,
          %get3A_617 = vector.shape_cast %get3A_616 : vector<16xf32> to vector<16xf32>
          %sub3A_618 = arith.subf %sub3A_614, %get3A_617 : vector<16xf32>
          %get3A_619 = arith.index_cast %scan3A_477 : i32 to index
          %get3A_620 = arith.constant 48 : index
          %get3A_621 = tpu.vector_load %arg9[%get3A_619, %get3A_620] {strides = array<i32>} : memref<64x512xf32, #tpu.memory_space<vmem>>, vector<1x16xf32>,
          %get3A_622 = vector.shape_cast %get3A_621 : vector<1x16xf32> to vector<16xf32>
          %mul3A_623 = arith.mulf %sub3A_618, %get3A_622 : vector<16xf32>
          %get3A_624 = arith.constant 48 : index
          %get3A_625 = tpu.vector_load %arg8[%get3A_624] {strides = array<i32>} : memref<512xf32, #tpu.memory_space<vmem>>, vector<16xf32>,
          %get3A_626 = vector.shape_cast %get3A_625 : vector<16xf32> to vector<16xf32>
          %mul3A_627 = arith.mulf %gather3A_519, %get3A_626 : vector<16xf32>
          %add3A_628 = arith.addf %mul3A_623, %mul3A_627 : vector<16xf32>
          %iota3A_629 = tpu.iota {dimensions = array<i32: 0>} : vector<16xi32>
          %add3A_630 = arith.constant 48 : i32
          %add3A_631 = vector.broadcast %add3A_630 : i32 to vector<16xi32>
          %add3A_632 = arith.addi %iota3A_629, %add3A_631 : vector<16xi32>
          %eq3A_633 = vector.broadcast %add3A_481 : i32 to vector<16xi32>
          %eq3A_634 = arith.cmpi eq, %add3A_632, %eq3A_633 : vector<16xi32>
          %jit3A_635 = arith.constant 0.000000e+00 : f32
          %broadcast_in_dim3A_636 = vector.broadcast %jit3A_635 : f32 to vector<16xf32>
          %select_n3A_637 = arith.select %eq3A_634, %broadcast_in_dim3A_636, %add3A_628 : vector<16xi1>, vector<16xf32>
          %swap3A_638 = arith.index_cast %scan3A_477 : i32 to index
          %swap3A_639 = arith.constant 48 : index
          %swap3A_640 = tpu.vector_load %arg10[%swap3A_638, %swap3A_639] {strides = array<i32>} : memref<64x512xf32, #tpu.memory_space<vmem>>, vector<1x16xf32>,
          %swap3A_641 = vector.shape_cast %swap3A_640 : vector<1x16xf32> to vector<16xf32>
          %swap3A_642 = vector.shape_cast %select_n3A_637 : vector<16xf32> to vector<1x16xf32>
          tpu.vector_store %arg10[%swap3A_638, %swap3A_639], %swap3A_642 {strides = array<i32>} : memref<64x512xf32, #tpu.memory_space<vmem>>, vector<1x16xf32>,
          %sub3A_643 = arith.constant 1.000000e+00 : f32
          %sub3A_644 = vector.broadcast %sub3A_643 : f32 to vector<16xf32>
          %sub3A_645 = arith.subf %sub3A_644, %gather3A_519 : vector<16xf32>
          %get3A_646 = arith.constant 64 : index
          %get3A_647 = tpu.vector_load %arg7[%get3A_646] {strides = array<i32>} : memref<512xf32, #tpu.memory_space<vmem>>, vector<16xf32>,
          %get3A_648 = vector.shape_cast %get3A_647 : vector<16xf32> to vector<16xf32>
          %sub3A_649 = arith.subf %sub3A_645, %get3A_648 : vector<16xf32>
          %get3A_650 = arith.index_cast %scan3A_477 : i32 to index
          %get3A_651 = arith.constant 64 : index
          %get3A_652 = tpu.vector_load %arg9[%get3A_650, %get3A_651] {strides = array<i32>} : memref<64x512xf32, #tpu.memory_space<vmem>>, vector<1x16xf32>,
          %get3A_653 = vector.shape_cast %get3A_652 : vector<1x16xf32> to vector<16xf32>
          %mul3A_654 = arith.mulf %sub3A_649, %get3A_653 : vector<16xf32>
          %get3A_655 = arith.constant 64 : index
          %get3A_656 = tpu.vector_load %arg8[%get3A_655] {strides = array<i32>} : memref<512xf32, #tpu.memory_space<vmem>>, vector<16xf32>,
          %get3A_657 = vector.shape_cast %get3A_656 : vector<16xf32> to vector<16xf32>
          %mul3A_658 = arith.mulf %gather3A_519, %get3A_657 : vector<16xf32>
          %add3A_659 = arith.addf %mul3A_654, %mul3A_658 : vector<16xf32>
          %iota3A_660 = tpu.iota {dimensions = array<i32: 0>} : vector<16xi32>
          %add3A_661 = arith.constant 64 : i32
          %add3A_662 = vector.broadcast %add3A_661 : i32 to vector<16xi32>
          %add3A_663 = arith.addi %iota3A_660, %add3A_662 : vector<16xi32>
          %eq3A_664 = vector.broadcast %add3A_481 : i32 to vector<16xi32>
          %eq3A_665 = arith.cmpi eq, %add3A_663, %eq3A_664 : vector<16xi32>
          %jit3A_666 = arith.constant 0.000000e+00 : f32
          %broadcast_in_dim3A_667 = vector.broadcast %jit3A_666 : f32 to vector<16xf32>
          %select_n3A_668 = arith.select %eq3A_665, %broadcast_in_dim3A_667, %add3A_659 : vector<16xi1>, vector<16xf32>
          %swap3A_669 = arith.index_cast %scan3A_477 : i32 to index
          %swap3A_670 = arith.constant 64 : index
          %swap3A_671 = tpu.vector_load %arg10[%swap3A_669, %swap3A_670] {strides = array<i32>} : memref<64x512xf32, #tpu.memory_space<vmem>>, vector<1x16xf32>,
          %swap3A_672 = vector.shape_cast %swap3A_671 : vector<1x16xf32> to vector<16xf32>
          %swap3A_673 = vector.shape_cast %select_n3A_668 : vector<16xf32> to vector<1x16xf32>
          tpu.vector_store %arg10[%swap3A_669, %swap3A_670], %swap3A_673 {strides = array<i32>} : memref<64x512xf32, #tpu.memory_space<vmem>>, vector<1x16xf32>,
          %sub3A_674 = arith.constant 1.000000e+00 : f32
          %sub3A_675 = vector.broadcast %sub3A_674 : f32 to vector<16xf32>
          %sub3A_676 = arith.subf %sub3A_675, %gather3A_519 : vector<16xf32>
          %get3A_677 = arith.constant 80 : index
          %get3A_678 = tpu.vector_load %arg7[%get3A_677] {strides = array<i32>} : memref<512xf32, #tpu.memory_space<vmem>>, vector<16xf32>,
          %get3A_679 = vector.shape_cast %get3A_678 : vector<16xf32> to vector<16xf32>
          %sub3A_680 = arith.subf %sub3A_676, %get3A_679 : vector<16xf32>
          %get3A_681 = arith.index_cast %scan3A_477 : i32 to index
          %get3A_682 = arith.constant 80 : index
          %get3A_683 = tpu.vector_load %arg9[%get3A_681, %get3A_682] {strides = array<i32>} : memref<64x512xf32, #tpu.memory_space<vmem>>, vector<1x16xf32>,
          %get3A_684 = vector.shape_cast %get3A_683 : vector<1x16xf32> to vector<16xf32>
          %mul3A_685 = arith.mulf %sub3A_680, %get3A_684 : vector<16xf32>
          %get3A_686 = arith.constant 80 : index
          %get3A_687 = tpu.vector_load %arg8[%get3A_686] {strides = array<i32>} : memref<512xf32, #tpu.memory_space<vmem>>, vector<16xf32>,
          %get3A_688 = vector.shape_cast %get3A_687 : vector<16xf32> to vector<16xf32>
          %mul3A_689 = arith.mulf %gather3A_519, %get3A_688 : vector<16xf32>
          %add3A_690 = arith.addf %mul3A_685, %mul3A_689 : vector<16xf32>
          %iota3A_691 = tpu.iota {dimensions = array<i32: 0>} : vector<16xi32>
          %add3A_692 = arith.constant 80 : i32
          %add3A_693 = vector.broadcast %add3A_692 : i32 to vector<16xi32>
          %add3A_694 = arith.addi %iota3A_691, %add3A_693 : vector<16xi32>
          %eq3A_695 = vector.broadcast %add3A_481 : i32 to vector<16xi32>
          %eq3A_696 = arith.cmpi eq, %add3A_694, %eq3A_695 : vector<16xi32>
          %jit3A_697 = arith.constant 0.000000e+00 : f32
          %broadcast_in_dim3A_698 = vector.broadcast %jit3A_697 : f32 to vector<16xf32>
          %select_n3A_699 = arith.select %eq3A_696, %broadcast_in_dim3A_698, %add3A_690 : vector<16xi1>, vector<16xf32>
          %swap3A_700 = arith.index_cast %scan3A_477 : i32 to index
          %swap3A_701 = arith.constant 80 : index
          %swap3A_702 = tpu.vector_load %arg10[%swap3A_700, %swap3A_701] {strides = array<i32>} : memref<64x512xf32, #tpu.memory_space<vmem>>, vector<1x16xf32>,
          %swap3A_703 = vector.shape_cast %swap3A_702 : vector<1x16xf32> to vector<16xf32>
          %swap3A_704 = vector.shape_cast %select_n3A_699 : vector<16xf32> to vector<1x16xf32>
          tpu.vector_store %arg10[%swap3A_700, %swap3A_701], %swap3A_704 {strides = array<i32>} : memref<64x512xf32, #tpu.memory_space<vmem>>, vector<1x16xf32>,
          %sub3A_705 = arith.constant 1.000000e+00 : f32
          %sub3A_706 = vector.broadcast %sub3A_705 : f32 to vector<16xf32>
          %sub3A_707 = arith.subf %sub3A_706, %gather3A_519 : vector<16xf32>
          %get3A_708 = arith.constant 96 : index
          %get3A_709 = tpu.vector_load %arg7[%get3A_708] {strides = array<i32>} : memref<512xf32, #tpu.memory_space<vmem>>, vector<16xf32>,
          %get3A_710 = vector.shape_cast %get3A_709 : vector<16xf32> to vector<16xf32>
          %sub3A_711 = arith.subf %sub3A_707, %get3A_710 : vector<16xf32>
          %get3A_712 = arith.index_cast %scan3A_477 : i32 to index
          %get3A_713 = arith.constant 96 : index
          %get3A_714 = tpu.vector_load %arg9[%get3A_712, %get3A_713] {strides = array<i32>} : memref<64x512xf32, #tpu.memory_space<vmem>>, vector<1x16xf32>,
          %get3A_715 = vector.shape_cast %get3A_714 : vector<1x16xf32> to vector<16xf32>
          %mul3A_716 = arith.mulf %sub3A_711, %get3A_715 : vector<16xf32>
          %get3A_717 = arith.constant 96 : index
          %get3A_718 = tpu.vector_load %arg8[%get3A_717] {strides = array<i32>} : memref<512xf32, #tpu.memory_space<vmem>>, vector<16xf32>,
          %get3A_719 = vector.shape_cast %get3A_718 : vector<16xf32> to vector<16xf32>
          %mul3A_720 = arith.mulf %gather3A_519, %get3A_719 : vector<16xf32>
          %add3A_721 = arith.addf %mul3A_716, %mul3A_720 : vector<16xf32>
          %iota3A_722 = tpu.iota {dimensions = array<i32: 0>} : vector<16xi32>
          %add3A_723 = arith.constant 96 : i32
          %add3A_724 = vector.broadcast %add3A_723 : i32 to vector<16xi32>
          %add3A_725 = arith.addi %iota3A_722, %add3A_724 : vector<16xi32>
          %eq3A_726 = vector.broadcast %add3A_481 : i32 to vector<16xi32>
          %eq3A_727 = arith.cmpi eq, %add3A_725, %eq3A_726 : vector<16xi32>
          %jit3A_728 = arith.constant 0.000000e+00 : f32
          %broadcast_in_dim3A_729 = vector.broadcast %jit3A_728 : f32 to vector<16xf32>
          %select_n3A_730 = arith.select %eq3A_727, %broadcast_in_dim3A_729, %add3A_721 : vector<16xi1>, vector<16xf32>
          %swap3A_731 = arith.index_cast %scan3A_477 : i32 to index
          %swap3A_732 = arith.constant 96 : index
          %swap3A_733 = tpu.vector_load %arg10[%swap3A_731, %swap3A_732] {strides = array<i32>} : memref<64x512xf32, #tpu.memory_space<vmem>>, vector<1x16xf32>,
          %swap3A_734 = vector.shape_cast %swap3A_733 : vector<1x16xf32> to vector<16xf32>
          %swap3A_735 = vector.shape_cast %select_n3A_730 : vector<16xf32> to vector<1x16xf32>
          tpu.vector_store %arg10[%swap3A_731, %swap3A_732], %swap3A_735 {strides = array<i32>} : memref<64x512xf32, #tpu.memory_space<vmem>>, vector<1x16xf32>,
          %sub3A_736 = arith.constant 1.000000e+00 : f32
          %sub3A_737 = vector.broadcast %sub3A_736 : f32 to vector<16xf32>
          %sub3A_738 = arith.subf %sub3A_737, %gather3A_519 : vector<16xf32>
          %get3A_739 = arith.constant 112 : index
          %get3A_740 = tpu.vector_load %arg7[%get3A_739] {strides = array<i32>} : memref<512xf32, #tpu.memory_space<vmem>>, vector<16xf32>,
          %get3A_741 = vector.shape_cast %get3A_740 : vector<16xf32> to vector<16xf32>
          %sub3A_742 = arith.subf %sub3A_738, %get3A_741 : vector<16xf32>
          %get3A_743 = arith.index_cast %scan3A_477 : i32 to index
          %get3A_744 = arith.constant 112 : index
          %get3A_745 = tpu.vector_load %arg9[%get3A_743, %get3A_744] {strides = array<i32>} : memref<64x512xf32, #tpu.memory_space<vmem>>, vector<1x16xf32>,
          %get3A_746 = vector.shape_cast %get3A_745 : vector<1x16xf32> to vector<16xf32>
          %mul3A_747 = arith.mulf %sub3A_742, %get3A_746 : vector<16xf32>
          %get3A_748 = arith.constant 112 : index
          %get3A_749 = tpu.vector_load %arg8[%get3A_748] {strides = array<i32>} : memref<512xf32, #tpu.memory_space<vmem>>, vector<16xf32>,
          %get3A_750 = vector.shape_cast %get3A_749 : vector<16xf32> to vector<16xf32>
          %mul3A_751 = arith.mulf %gather3A_519, %get3A_750 : vector<16xf32>
          %add3A_752 = arith.addf %mul3A_747, %mul3A_751 : vector<16xf32>
          %iota3A_753 = tpu.iota {dimensions = array<i32: 0>} : vector<16xi32>
          %add3A_754 = arith.constant 112 : i32
          %add3A_755 = vector.broadcast %add3A_754 : i32 to vector<16xi32>
          %add3A_756 = arith.addi %iota3A_753, %add3A_755 : vector<16xi32>
          %eq3A_757 = vector.broadcast %add3A_481 : i32 to vector<16xi32>
          %eq3A_758 = arith.cmpi eq, %add3A_756, %eq3A_757 : vector<16xi32>
          %jit3A_759 = arith.constant 0.000000e+00 : f32
          %broadcast_in_dim3A_760 = vector.broadcast %jit3A_759 : f32 to vector<16xf32>
          %select_n3A_761 = arith.select %eq3A_758, %broadcast_in_dim3A_760, %add3A_752 : vector<16xi1>, vector<16xf32>
          %swap3A_762 = arith.index_cast %scan3A_477 : i32 to index
          %swap3A_763 = arith.constant 112 : index
          %swap3A_764 = tpu.vector_load %arg10[%swap3A_762, %swap3A_763] {strides = array<i32>} : memref<64x512xf32, #tpu.memory_space<vmem>>, vector<1x16xf32>,
          %swap3A_765 = vector.shape_cast %swap3A_764 : vector<1x16xf32> to vector<16xf32>
          %swap3A_766 = vector.shape_cast %select_n3A_761 : vector<16xf32> to vector<1x16xf32>
          tpu.vector_store %arg10[%swap3A_762, %swap3A_763], %swap3A_766 {strides = array<i32>} : memref<64x512xf32, #tpu.memory_space<vmem>>, vector<1x16xf32>,
          %sub3A_767 = arith.constant 1.000000e+00 : f32
          %sub3A_768 = vector.broadcast %sub3A_767 : f32 to vector<16xf32>
          %sub3A_769 = arith.subf %sub3A_768, %gather3A_519 : vector<16xf32>
          %get3A_770 = arith.constant 128 : index
          %get3A_771 = tpu.vector_load %arg7[%get3A_770] {strides = array<i32>} : memref<512xf32, #tpu.memory_space<vmem>>, vector<16xf32>,
          %get3A_772 = vector.shape_cast %get3A_771 : vector<16xf32> to vector<16xf32>
          %sub3A_773 = arith.subf %sub3A_769, %get3A_772 : vector<16xf32>
          %get3A_774 = arith.index_cast %scan3A_477 : i32 to index
          %get3A_775 = arith.constant 128 : index
          %get3A_776 = tpu.vector_load %arg9[%get3A_774, %get3A_775] {strides = array<i32>} : memref<64x512xf32, #tpu.memory_space<vmem>>, vector<1x16xf32>,
          %get3A_777 = vector.shape_cast %get3A_776 : vector<1x16xf32> to vector<16xf32>
          %mul3A_778 = arith.mulf %sub3A_773, %get3A_777 : vector<16xf32>
          %get3A_779 = arith.constant 128 : index
          %get3A_780 = tpu.vector_load %arg8[%get3A_779] {strides = array<i32>} : memref<512xf32, #tpu.memory_space<vmem>>, vector<16xf32>,
          %get3A_781 = vector.shape_cast %get3A_780 : vector<16xf32> to vector<16xf32>
          %mul3A_782 = arith.mulf %gather3A_519, %get3A_781 : vector<16xf32>
          %add3A_783 = arith.addf %mul3A_778, %mul3A_782 : vector<16xf32>
          %iota3A_784 = tpu.iota {dimensions = array<i32: 0>} : vector<16xi32>
          %add3A_785 = arith.constant 128 : i32
          %add3A_786 = vector.broadcast %add3A_785 : i32 to vector<16xi32>
          %add3A_787 = arith.addi %iota3A_784, %add3A_786 : vector<16xi32>
          %eq3A_788 = vector.broadcast %add3A_481 : i32 to vector<16xi32>
          %eq3A_789 = arith.cmpi eq, %add3A_787, %eq3A_788 : vector<16xi32>
          %jit3A_790 = arith.constant 0.000000e+00 : f32
          %broadcast_in_dim3A_791 = vector.broadcast %jit3A_790 : f32 to vector<16xf32>
          %select_n3A_792 = arith.select %eq3A_789, %broadcast_in_dim3A_791, %add3A_783 : vector<16xi1>, vector<16xf32>
          %swap3A_793 = arith.index_cast %scan3A_477 : i32 to index
          %swap3A_794 = arith.constant 128 : index
          %swap3A_795 = tpu.vector_load %arg10[%swap3A_793, %swap3A_794] {strides = array<i32>} : memref<64x512xf32, #tpu.memory_space<vmem>>, vector<1x16xf32>,
          %swap3A_796 = vector.shape_cast %swap3A_795 : vector<1x16xf32> to vector<16xf32>
          %swap3A_797 = vector.shape_cast %select_n3A_792 : vector<16xf32> to vector<1x16xf32>
          tpu.vector_store %arg10[%swap3A_793, %swap3A_794], %swap3A_797 {strides = array<i32>} : memref<64x512xf32, #tpu.memory_space<vmem>>, vector<1x16xf32>,
          %sub3A_798 = arith.constant 1.000000e+00 : f32
          %sub3A_799 = vector.broadcast %sub3A_798 : f32 to vector<16xf32>
          %sub3A_800 = arith.subf %sub3A_799, %gather3A_519 : vector<16xf32>
          %get3A_801 = arith.constant 144 : index
          %get3A_802 = tpu.vector_load %arg7[%get3A_801] {strides = array<i32>} : memref<512xf32, #tpu.memory_space<vmem>>, vector<16xf32>,
          %get3A_803 = vector.shape_cast %get3A_802 : vector<16xf32> to vector<16xf32>
          %sub3A_804 = arith.subf %sub3A_800, %get3A_803 : vector<16xf32>
          %get3A_805 = arith.index_cast %scan3A_477 : i32 to index
          %get3A_806 = arith.constant 144 : index
          %get3A_807 = tpu.vector_load %arg9[%get3A_805, %get3A_806] {strides = array<i32>} : memref<64x512xf32, #tpu.memory_space<vmem>>, vector<1x16xf32>,
          %get3A_808 = vector.shape_cast %get3A_807 : vector<1x16xf32> to vector<16xf32>
          %mul3A_809 = arith.mulf %sub3A_804, %get3A_808 : vector<16xf32>
          %get3A_810 = arith.constant 144 : index
          %get3A_811 = tpu.vector_load %arg8[%get3A_810] {strides = array<i32>} : memref<512xf32, #tpu.memory_space<vmem>>, vector<16xf32>,
          %get3A_812 = vector.shape_cast %get3A_811 : vector<16xf32> to vector<16xf32>
          %mul3A_813 = arith.mulf %gather3A_519, %get3A_812 : vector<16xf32>
          %add3A_814 = arith.addf %mul3A_809, %mul3A_813 : vector<16xf32>
          %iota3A_815 = tpu.iota {dimensions = array<i32: 0>} : vector<16xi32>
          %add3A_816 = arith.constant 144 : i32
          %add3A_817 = vector.broadcast %add3A_816 : i32 to vector<16xi32>
          %add3A_818 = arith.addi %iota3A_815, %add3A_817 : vector<16xi32>
          %eq3A_819 = vector.broadcast %add3A_481 : i32 to vector<16xi32>
          %eq3A_820 = arith.cmpi eq, %add3A_818, %eq3A_819 : vector<16xi32>
          %jit3A_821 = arith.constant 0.000000e+00 : f32
          %broadcast_in_dim3A_822 = vector.broadcast %jit3A_821 : f32 to vector<16xf32>
          %select_n3A_823 = arith.select %eq3A_820, %broadcast_in_dim3A_822, %add3A_814 : vector<16xi1>, vector<16xf32>
          %swap3A_824 = arith.index_cast %scan3A_477 : i32 to index
          %swap3A_825 = arith.constant 144 : index
          %swap3A_826 = tpu.vector_load %arg10[%swap3A_824, %swap3A_825] {strides = array<i32>} : memref<64x512xf32, #tpu.memory_space<vmem>>, vector<1x16xf32>,
          %swap3A_827 = vector.shape_cast %swap3A_826 : vector<1x16xf32> to vector<16xf32>
          %swap3A_828 = vector.shape_cast %select_n3A_823 : vector<16xf32> to vector<1x16xf32>
          tpu.vector_store %arg10[%swap3A_824, %swap3A_825], %swap3A_828 {strides = array<i32>} : memref<64x512xf32, #tpu.memory_space<vmem>>, vector<1x16xf32>,
          %sub3A_829 = arith.constant 1.000000e+00 : f32
          %sub3A_830 = vector.broadcast %sub3A_829 : f32 to vector<16xf32>
          %sub3A_831 = arith.subf %sub3A_830, %gather3A_519 : vector<16xf32>
          %get3A_832 = arith.constant 160 : index
          %get3A_833 = tpu.vector_load %arg7[%get3A_832] {strides = array<i32>} : memref<512xf32, #tpu.memory_space<vmem>>, vector<16xf32>,
          %get3A_834 = vector.shape_cast %get3A_833 : vector<16xf32> to vector<16xf32>
          %sub3A_835 = arith.subf %sub3A_831, %get3A_834 : vector<16xf32>
          %get3A_836 = arith.index_cast %scan3A_477 : i32 to index
          %get3A_837 = arith.constant 160 : index
          %get3A_838 = tpu.vector_load %arg9[%get3A_836, %get3A_837] {strides = array<i32>} : memref<64x512xf32, #tpu.memory_space<vmem>>, vector<1x16xf32>,
          %get3A_839 = vector.shape_cast %get3A_838 : vector<1x16xf32> to vector<16xf32>
          %mul3A_840 = arith.mulf %sub3A_835, %get3A_839 : vector<16xf32>
          %get3A_841 = arith.constant 160 : index
          %get3A_842 = tpu.vector_load %arg8[%get3A_841] {strides = array<i32>} : memref<512xf32, #tpu.memory_space<vmem>>, vector<16xf32>,
          %get3A_843 = vector.shape_cast %get3A_842 : vector<16xf32> to vector<16xf32>
          %mul3A_844 = arith.mulf %gather3A_519, %get3A_843 : vector<16xf32>
          %add3A_845 = arith.addf %mul3A_840, %mul3A_844 : vector<16xf32>
          %iota3A_846 = tpu.iota {dimensions = array<i32: 0>} : vector<16xi32>
          %add3A_847 = arith.constant 160 : i32
          %add3A_848 = vector.broadcast %add3A_847 : i32 to vector<16xi32>
          %add3A_849 = arith.addi %iota3A_846, %add3A_848 : vector<16xi32>
          %eq3A_850 = vector.broadcast %add3A_481 : i32 to vector<16xi32>
          %eq3A_851 = arith.cmpi eq, %add3A_849, %eq3A_850 : vector<16xi32>
          %jit3A_852 = arith.constant 0.000000e+00 : f32
          %broadcast_in_dim3A_853 = vector.broadcast %jit3A_852 : f32 to vector<16xf32>
          %select_n3A_854 = arith.select %eq3A_851, %broadcast_in_dim3A_853, %add3A_845 : vector<16xi1>, vector<16xf32>
          %swap3A_855 = arith.index_cast %scan3A_477 : i32 to index
          %swap3A_856 = arith.constant 160 : index
          %swap3A_857 = tpu.vector_load %arg10[%swap3A_855, %swap3A_856] {strides = array<i32>} : memref<64x512xf32, #tpu.memory_space<vmem>>, vector<1x16xf32>,
          %swap3A_858 = vector.shape_cast %swap3A_857 : vector<1x16xf32> to vector<16xf32>
          %swap3A_859 = vector.shape_cast %select_n3A_854 : vector<16xf32> to vector<1x16xf32>
          tpu.vector_store %arg10[%swap3A_855, %swap3A_856], %swap3A_859 {strides = array<i32>} : memref<64x512xf32, #tpu.memory_space<vmem>>, vector<1x16xf32>,
          %sub3A_860 = arith.constant 1.000000e+00 : f32
          %sub3A_861 = vector.broadcast %sub3A_860 : f32 to vector<16xf32>
          %sub3A_862 = arith.subf %sub3A_861, %gather3A_519 : vector<16xf32>
          %get3A_863 = arith.constant 176 : index
          %get3A_864 = tpu.vector_load %arg7[%get3A_863] {strides = array<i32>} : memref<512xf32, #tpu.memory_space<vmem>>, vector<16xf32>,
          %get3A_865 = vector.shape_cast %get3A_864 : vector<16xf32> to vector<16xf32>
          %sub3A_866 = arith.subf %sub3A_862, %get3A_865 : vector<16xf32>
          %get3A_867 = arith.index_cast %scan3A_477 : i32 to index
          %get3A_868 = arith.constant 176 : index
          %get3A_869 = tpu.vector_load %arg9[%get3A_867, %get3A_868] {strides = array<i32>} : memref<64x512xf32, #tpu.memory_space<vmem>>, vector<1x16xf32>,
          %get3A_870 = vector.shape_cast %get3A_869 : vector<1x16xf32> to vector<16xf32>
          %mul3A_871 = arith.mulf %sub3A_866, %get3A_870 : vector<16xf32>
          %get3A_872 = arith.constant 176 : index
          %get3A_873 = tpu.vector_load %arg8[%get3A_872] {strides = array<i32>} : memref<512xf32, #tpu.memory_space<vmem>>, vector<16xf32>,
          %get3A_874 = vector.shape_cast %get3A_873 : vector<16xf32> to vector<16xf32>
          %mul3A_875 = arith.mulf %gather3A_519, %get3A_874 : vector<16xf32>
          %add3A_876 = arith.addf %mul3A_871, %mul3A_875 : vector<16xf32>
          %iota3A_877 = tpu.iota {dimensions = array<i32: 0>} : vector<16xi32>
          %add3A_878 = arith.constant 176 : i32
          %add3A_879 = vector.broadcast %add3A_878 : i32 to vector<16xi32>
          %add3A_880 = arith.addi %iota3A_877, %add3A_879 : vector<16xi32>
          %eq3A_881 = vector.broadcast %add3A_481 : i32 to vector<16xi32>
          %eq3A_882 = arith.cmpi eq, %add3A_880, %eq3A_881 : vector<16xi32>
          %jit3A_883 = arith.constant 0.000000e+00 : f32
          %broadcast_in_dim3A_884 = vector.broadcast %jit3A_883 : f32 to vector<16xf32>
          %select_n3A_885 = arith.select %eq3A_882, %broadcast_in_dim3A_884, %add3A_876 : vector<16xi1>, vector<16xf32>
          %swap3A_886 = arith.index_cast %scan3A_477 : i32 to index
          %swap3A_887 = arith.constant 176 : index
          %swap3A_888 = tpu.vector_load %arg10[%swap3A_886, %swap3A_887] {strides = array<i32>} : memref<64x512xf32, #tpu.memory_space<vmem>>, vector<1x16xf32>,
          %swap3A_889 = vector.shape_cast %swap3A_888 : vector<1x16xf32> to vector<16xf32>
          %swap3A_890 = vector.shape_cast %select_n3A_885 : vector<16xf32> to vector<1x16xf32>
          tpu.vector_store %arg10[%swap3A_886, %swap3A_887], %swap3A_890 {strides = array<i32>} : memref<64x512xf32, #tpu.memory_space<vmem>>, vector<1x16xf32>,
          %sub3A_891 = arith.constant 1.000000e+00 : f32
          %sub3A_892 = vector.broadcast %sub3A_891 : f32 to vector<16xf32>
          %sub3A_893 = arith.subf %sub3A_892, %gather3A_519 : vector<16xf32>
          %get3A_894 = arith.constant 192 : index
          %get3A_895 = tpu.vector_load %arg7[%get3A_894] {strides = array<i32>} : memref<512xf32, #tpu.memory_space<vmem>>, vector<16xf32>,
          %get3A_896 = vector.shape_cast %get3A_895 : vector<16xf32> to vector<16xf32>
          %sub3A_897 = arith.subf %sub3A_893, %get3A_896 : vector<16xf32>
          %get3A_898 = arith.index_cast %scan3A_477 : i32 to index
          %get3A_899 = arith.constant 192 : index
          %get3A_900 = tpu.vector_load %arg9[%get3A_898, %get3A_899] {strides = array<i32>} : memref<64x512xf32, #tpu.memory_space<vmem>>, vector<1x16xf32>,
          %get3A_901 = vector.shape_cast %get3A_900 : vector<1x16xf32> to vector<16xf32>
          %mul3A_902 = arith.mulf %sub3A_897, %get3A_901 : vector<16xf32>
          %get3A_903 = arith.constant 192 : index
          %get3A_904 = tpu.vector_load %arg8[%get3A_903] {strides = array<i32>} : memref<512xf32, #tpu.memory_space<vmem>>, vector<16xf32>,
          %get3A_905 = vector.shape_cast %get3A_904 : vector<16xf32> to vector<16xf32>
          %mul3A_906 = arith.mulf %gather3A_519, %get3A_905 : vector<16xf32>
          %add3A_907 = arith.addf %mul3A_902, %mul3A_906 : vector<16xf32>
          %iota3A_908 = tpu.iota {dimensions = array<i32: 0>} : vector<16xi32>
          %add3A_909 = arith.constant 192 : i32
          %add3A_910 = vector.broadcast %add3A_909 : i32 to vector<16xi32>
          %add3A_911 = arith.addi %iota3A_908, %add3A_910 : vector<16xi32>
          %eq3A_912 = vector.broadcast %add3A_481 : i32 to vector<16xi32>
          %eq3A_913 = arith.cmpi eq, %add3A_911, %eq3A_912 : vector<16xi32>
          %jit3A_914 = arith.constant 0.000000e+00 : f32
          %broadcast_in_dim3A_915 = vector.broadcast %jit3A_914 : f32 to vector<16xf32>
          %select_n3A_916 = arith.select %eq3A_913, %broadcast_in_dim3A_915, %add3A_907 : vector<16xi1>, vector<16xf32>
          %swap3A_917 = arith.index_cast %scan3A_477 : i32 to index
          %swap3A_918 = arith.constant 192 : index
          %swap3A_919 = tpu.vector_load %arg10[%swap3A_917, %swap3A_918] {strides = array<i32>} : memref<64x512xf32, #tpu.memory_space<vmem>>, vector<1x16xf32>,
          %swap3A_920 = vector.shape_cast %swap3A_919 : vector<1x16xf32> to vector<16xf32>
          %swap3A_921 = vector.shape_cast %select_n3A_916 : vector<16xf32> to vector<1x16xf32>
          tpu.vector_store %arg10[%swap3A_917, %swap3A_918], %swap3A_921 {strides = array<i32>} : memref<64x512xf32, #tpu.memory_space<vmem>>, vector<1x16xf32>,
          %sub3A_922 = arith.constant 1.000000e+00 : f32
          %sub3A_923 = vector.broadcast %sub3A_922 : f32 to vector<16xf32>
          %sub3A_924 = arith.subf %sub3A_923, %gather3A_519 : vector<16xf32>
          %get3A_925 = arith.constant 208 : index
          %get3A_926 = tpu.vector_load %arg7[%get3A_925] {strides = array<i32>} : memref<512xf32, #tpu.memory_space<vmem>>, vector<16xf32>,
          %get3A_927 = vector.shape_cast %get3A_926 : vector<16xf32> to vector<16xf32>
          %sub3A_928 = arith.subf %sub3A_924, %get3A_927 : vector<16xf32>
          %get3A_929 = arith.index_cast %scan3A_477 : i32 to index
          %get3A_930 = arith.constant 208 : index
          %get3A_931 = tpu.vector_load %arg9[%get3A_929, %get3A_930] {strides = array<i32>} : memref<64x512xf32, #tpu.memory_space<vmem>>, vector<1x16xf32>,
          %get3A_932 = vector.shape_cast %get3A_931 : vector<1x16xf32> to vector<16xf32>
          %mul3A_933 = arith.mulf %sub3A_928, %get3A_932 : vector<16xf32>
          %get3A_934 = arith.constant 208 : index
          %get3A_935 = tpu.vector_load %arg8[%get3A_934] {strides = array<i32>} : memref<512xf32, #tpu.memory_space<vmem>>, vector<16xf32>,
          %get3A_936 = vector.shape_cast %get3A_935 : vector<16xf32> to vector<16xf32>
          %mul3A_937 = arith.mulf %gather3A_519, %get3A_936 : vector<16xf32>
          %add3A_938 = arith.addf %mul3A_933, %mul3A_937 : vector<16xf32>
          %iota3A_939 = tpu.iota {dimensions = array<i32: 0>} : vector<16xi32>
          %add3A_940 = arith.constant 208 : i32
          %add3A_941 = vector.broadcast %add3A_940 : i32 to vector<16xi32>
          %add3A_942 = arith.addi %iota3A_939, %add3A_941 : vector<16xi32>
          %eq3A_943 = vector.broadcast %add3A_481 : i32 to vector<16xi32>
          %eq3A_944 = arith.cmpi eq, %add3A_942, %eq3A_943 : vector<16xi32>
          %jit3A_945 = arith.constant 0.000000e+00 : f32
          %broadcast_in_dim3A_946 = vector.broadcast %jit3A_945 : f32 to vector<16xf32>
          %select_n3A_947 = arith.select %eq3A_944, %broadcast_in_dim3A_946, %add3A_938 : vector<16xi1>, vector<16xf32>
          %swap3A_948 = arith.index_cast %scan3A_477 : i32 to index
          %swap3A_949 = arith.constant 208 : index
          %swap3A_950 = tpu.vector_load %arg10[%swap3A_948, %swap3A_949] {strides = array<i32>} : memref<64x512xf32, #tpu.memory_space<vmem>>, vector<1x16xf32>,
          %swap3A_951 = vector.shape_cast %swap3A_950 : vector<1x16xf32> to vector<16xf32>
          %swap3A_952 = vector.shape_cast %select_n3A_947 : vector<16xf32> to vector<1x16xf32>
          tpu.vector_store %arg10[%swap3A_948, %swap3A_949], %swap3A_952 {strides = array<i32>} : memref<64x512xf32, #tpu.memory_space<vmem>>, vector<1x16xf32>,
          %sub3A_953 = arith.constant 1.000000e+00 : f32
          %sub3A_954 = vector.broadcast %sub3A_953 : f32 to vector<16xf32>
          %sub3A_955 = arith.subf %sub3A_954, %gather3A_519 : vector<16xf32>
          %get3A_956 = arith.constant 224 : index
          %get3A_957 = tpu.vector_load %arg7[%get3A_956] {strides = array<i32>} : memref<512xf32, #tpu.memory_space<vmem>>, vector<16xf32>,
          %get3A_958 = vector.shape_cast %get3A_957 : vector<16xf32> to vector<16xf32>
          %sub3A_959 = arith.subf %sub3A_955, %get3A_958 : vector<16xf32>
          %get3A_960 = arith.index_cast %scan3A_477 : i32 to index
          %get3A_961 = arith.constant 224 : index
          %get3A_962 = tpu.vector_load %arg9[%get3A_960, %get3A_961] {strides = array<i32>} : memref<64x512xf32, #tpu.memory_space<vmem>>, vector<1x16xf32>,
          %get3A_963 = vector.shape_cast %get3A_962 : vector<1x16xf32> to vector<16xf32>
          %mul3A_964 = arith.mulf %sub3A_959, %get3A_963 : vector<16xf32>
          %get3A_965 = arith.constant 224 : index
          %get3A_966 = tpu.vector_load %arg8[%get3A_965] {strides = array<i32>} : memref<512xf32, #tpu.memory_space<vmem>>, vector<16xf32>,
          %get3A_967 = vector.shape_cast %get3A_966 : vector<16xf32> to vector<16xf32>
          %mul3A_968 = arith.mulf %gather3A_519, %get3A_967 : vector<16xf32>
          %add3A_969 = arith.addf %mul3A_964, %mul3A_968 : vector<16xf32>
          %iota3A_970 = tpu.iota {dimensions = array<i32: 0>} : vector<16xi32>
          %add3A_971 = arith.constant 224 : i32
          %add3A_972 = vector.broadcast %add3A_971 : i32 to vector<16xi32>
          %add3A_973 = arith.addi %iota3A_970, %add3A_972 : vector<16xi32>
          %eq3A_974 = vector.broadcast %add3A_481 : i32 to vector<16xi32>
          %eq3A_975 = arith.cmpi eq, %add3A_973, %eq3A_974 : vector<16xi32>
          %jit3A_976 = arith.constant 0.000000e+00 : f32
          %broadcast_in_dim3A_977 = vector.broadcast %jit3A_976 : f32 to vector<16xf32>
          %select_n3A_978 = arith.select %eq3A_975, %broadcast_in_dim3A_977, %add3A_969 : vector<16xi1>, vector<16xf32>
          %swap3A_979 = arith.index_cast %scan3A_477 : i32 to index
          %swap3A_980 = arith.constant 224 : index
          %swap3A_981 = tpu.vector_load %arg10[%swap3A_979, %swap3A_980] {strides = array<i32>} : memref<64x512xf32, #tpu.memory_space<vmem>>, vector<1x16xf32>,
          %swap3A_982 = vector.shape_cast %swap3A_981 : vector<1x16xf32> to vector<16xf32>
          %swap3A_983 = vector.shape_cast %select_n3A_978 : vector<16xf32> to vector<1x16xf32>
          tpu.vector_store %arg10[%swap3A_979, %swap3A_980], %swap3A_983 {strides = array<i32>} : memref<64x512xf32, #tpu.memory_space<vmem>>, vector<1x16xf32>,
          %sub3A_984 = arith.constant 1.000000e+00 : f32
          %sub3A_985 = vector.broadcast %sub3A_984 : f32 to vector<16xf32>
          %sub3A_986 = arith.subf %sub3A_985, %gather3A_519 : vector<16xf32>
          %get3A_987 = arith.constant 240 : index
          %get3A_988 = tpu.vector_load %arg7[%get3A_987] {strides = array<i32>} : memref<512xf32, #tpu.memory_space<vmem>>, vector<16xf32>,
          %get3A_989 = vector.shape_cast %get3A_988 : vector<16xf32> to vector<16xf32>
          %sub3A_990 = arith.subf %sub3A_986, %get3A_989 : vector<16xf32>
          %get3A_991 = arith.index_cast %scan3A_477 : i32 to index
          %get3A_992 = arith.constant 240 : index
          %get3A_993 = tpu.vector_load %arg9[%get3A_991, %get3A_992] {strides = array<i32>} : memref<64x512xf32, #tpu.memory_space<vmem>>, vector<1x16xf32>,
          %get3A_994 = vector.shape_cast %get3A_993 : vector<1x16xf32> to vector<16xf32>
          %mul3A_995 = arith.mulf %sub3A_990, %get3A_994 : vector<16xf32>
          %get3A_996 = arith.constant 240 : index
          %get3A_997 = tpu.vector_load %arg8[%get3A_996] {strides = array<i32>} : memref<512xf32, #tpu.memory_space<vmem>>, vector<16xf32>,
          %get3A_998 = vector.shape_cast %get3A_997 : vector<16xf32> to vector<16xf32>
          %mul3A_999 = arith.mulf %gather3A_519, %get3A_998 : vector<16xf32>
          %add3A_1000 = arith.addf %mul3A_995, %mul3A_999 : vector<16xf32>
          %iota3A_1001 = tpu.iota {dimensions = array<i32: 0>} : vector<16xi32>
          %add3A_1002 = arith.constant 240 : i32
          %add3A_1003 = vector.broadcast %add3A_1002 : i32 to vector<16xi32>
          %add3A_1004 = arith.addi %iota3A_1001, %add3A_1003 : vector<16xi32>
          %eq3A_1005 = vector.broadcast %add3A_481 : i32 to vector<16xi32>
          %eq3A_1006 = arith.cmpi eq, %add3A_1004, %eq3A_1005 : vector<16xi32>
          %jit3A_1007 = arith.constant 0.000000e+00 : f32
          %broadcast_in_dim3A_1008 = vector.broadcast %jit3A_1007 : f32 to vector<16xf32>
          %select_n3A_1009 = arith.select %eq3A_1006, %broadcast_in_dim3A_1008, %add3A_1000 : vector<16xi1>, vector<16xf32>
          %swap3A_1010 = arith.index_cast %scan3A_477 : i32 to index
          %swap3A_1011 = arith.constant 240 : index
          %swap3A_1012 = tpu.vector_load %arg10[%swap3A_1010, %swap3A_1011] {strides = array<i32>} : memref<64x512xf32, #tpu.memory_space<vmem>>, vector<1x16xf32>,
          %swap3A_1013 = vector.shape_cast %swap3A_1012 : vector<1x16xf32> to vector<16xf32>
          %swap3A_1014 = vector.shape_cast %select_n3A_1009 : vector<16xf32> to vector<1x16xf32>
          tpu.vector_store %arg10[%swap3A_1010, %swap3A_1011], %swap3A_1014 {strides = array<i32>} : memref<64x512xf32, #tpu.memory_space<vmem>>, vector<1x16xf32>,
          %sub3A_1015 = arith.constant 1.000000e+00 : f32
          %sub3A_1016 = vector.broadcast %sub3A_1015 : f32 to vector<16xf32>
          %sub3A_1017 = arith.subf %sub3A_1016, %gather3A_519 : vector<16xf32>
          %get3A_1018 = arith.constant 256 : index
          %get3A_1019 = tpu.vector_load %arg7[%get3A_1018] {strides = array<i32>} : memref<512xf32, #tpu.memory_space<vmem>>, vector<16xf32>,
          %get3A_1020 = vector.shape_cast %get3A_1019 : vector<16xf32> to vector<16xf32>
          %sub3A_1021 = arith.subf %sub3A_1017, %get3A_1020 : vector<16xf32>
          %get3A_1022 = arith.index_cast %scan3A_477 : i32 to index
          %get3A_1023 = arith.constant 256 : index
          %get3A_1024 = tpu.vector_load %arg9[%get3A_1022, %get3A_1023] {strides = array<i32>} : memref<64x512xf32, #tpu.memory_space<vmem>>, vector<1x16xf32>,
          %get3A_1025 = vector.shape_cast %get3A_1024 : vector<1x16xf32> to vector<16xf32>
          %mul3A_1026 = arith.mulf %sub3A_1021, %get3A_1025 : vector<16xf32>
          %get3A_1027 = arith.constant 256 : index
          %get3A_1028 = tpu.vector_load %arg8[%get3A_1027] {strides = array<i32>} : memref<512xf32, #tpu.memory_space<vmem>>, vector<16xf32>,
          %get3A_1029 = vector.shape_cast %get3A_1028 : vector<16xf32> to vector<16xf32>
          %mul3A_1030 = arith.mulf %gather3A_519, %get3A_1029 : vector<16xf32>
          %add3A_1031 = arith.addf %mul3A_1026, %mul3A_1030 : vector<16xf32>
          %iota3A_1032 = tpu.iota {dimensions = array<i32: 0>} : vector<16xi32>
          %add3A_1033 = arith.constant 256 : i32
          %add3A_1034 = vector.broadcast %add3A_1033 : i32 to vector<16xi32>
          %add3A_1035 = arith.addi %iota3A_1032, %add3A_1034 : vector<16xi32>
          %eq3A_1036 = vector.broadcast %add3A_481 : i32 to vector<16xi32>
          %eq3A_1037 = arith.cmpi eq, %add3A_1035, %eq3A_1036 : vector<16xi32>
          %jit3A_1038 = arith.constant 0.000000e+00 : f32
          %broadcast_in_dim3A_1039 = vector.broadcast %jit3A_1038 : f32 to vector<16xf32>
          %select_n3A_1040 = arith.select %eq3A_1037, %broadcast_in_dim3A_1039, %add3A_1031 : vector<16xi1>, vector<16xf32>
          %swap3A_1041 = arith.index_cast %scan3A_477 : i32 to index
          %swap3A_1042 = arith.constant 256 : index
          %swap3A_1043 = tpu.vector_load %arg10[%swap3A_1041, %swap3A_1042] {strides = array<i32>} : memref<64x512xf32, #tpu.memory_space<vmem>>, vector<1x16xf32>,
          %swap3A_1044 = vector.shape_cast %swap3A_1043 : vector<1x16xf32> to vector<16xf32>
          %swap3A_1045 = vector.shape_cast %select_n3A_1040 : vector<16xf32> to vector<1x16xf32>
          tpu.vector_store %arg10[%swap3A_1041, %swap3A_1042], %swap3A_1045 {strides = array<i32>} : memref<64x512xf32, #tpu.memory_space<vmem>>, vector<1x16xf32>,
          %sub3A_1046 = arith.constant 1.000000e+00 : f32
          %sub3A_1047 = vector.broadcast %sub3A_1046 : f32 to vector<16xf32>
          %sub3A_1048 = arith.subf %sub3A_1047, %gather3A_519 : vector<16xf32>
          %get3A_1049 = arith.constant 272 : index
          %get3A_1050 = tpu.vector_load %arg7[%get3A_1049] {strides = array<i32>} : memref<512xf32, #tpu.memory_space<vmem>>, vector<16xf32>,
          %get3A_1051 = vector.shape_cast %get3A_1050 : vector<16xf32> to vector<16xf32>
          %sub3A_1052 = arith.subf %sub3A_1048, %get3A_1051 : vector<16xf32>
          %get3A_1053 = arith.index_cast %scan3A_477 : i32 to index
          %get3A_1054 = arith.constant 272 : index
          %get3A_1055 = tpu.vector_load %arg9[%get3A_1053, %get3A_1054] {strides = array<i32>} : memref<64x512xf32, #tpu.memory_space<vmem>>, vector<1x16xf32>,
          %get3A_1056 = vector.shape_cast %get3A_1055 : vector<1x16xf32> to vector<16xf32>
          %mul3A_1057 = arith.mulf %sub3A_1052, %get3A_1056 : vector<16xf32>
          %get3A_1058 = arith.constant 272 : index
          %get3A_1059 = tpu.vector_load %arg8[%get3A_1058] {strides = array<i32>} : memref<512xf32, #tpu.memory_space<vmem>>, vector<16xf32>,
          %get3A_1060 = vector.shape_cast %get3A_1059 : vector<16xf32> to vector<16xf32>
          %mul3A_1061 = arith.mulf %gather3A_519, %get3A_1060 : vector<16xf32>
          %add3A_1062 = arith.addf %mul3A_1057, %mul3A_1061 : vector<16xf32>
          %iota3A_1063 = tpu.iota {dimensions = array<i32: 0>} : vector<16xi32>
          %add3A_1064 = arith.constant 272 : i32
          %add3A_1065 = vector.broadcast %add3A_1064 : i32 to vector<16xi32>
          %add3A_1066 = arith.addi %iota3A_1063, %add3A_1065 : vector<16xi32>
          %eq3A_1067 = vector.broadcast %add3A_481 : i32 to vector<16xi32>
          %eq3A_1068 = arith.cmpi eq, %add3A_1066, %eq3A_1067 : vector<16xi32>
          %jit3A_1069 = arith.constant 0.000000e+00 : f32
          %broadcast_in_dim3A_1070 = vector.broadcast %jit3A_1069 : f32 to vector<16xf32>
          %select_n3A_1071 = arith.select %eq3A_1068, %broadcast_in_dim3A_1070, %add3A_1062 : vector<16xi1>, vector<16xf32>
          %swap3A_1072 = arith.index_cast %scan3A_477 : i32 to index
          %swap3A_1073 = arith.constant 272 : index
          %swap3A_1074 = tpu.vector_load %arg10[%swap3A_1072, %swap3A_1073] {strides = array<i32>} : memref<64x512xf32, #tpu.memory_space<vmem>>, vector<1x16xf32>,
          %swap3A_1075 = vector.shape_cast %swap3A_1074 : vector<1x16xf32> to vector<16xf32>
          %swap3A_1076 = vector.shape_cast %select_n3A_1071 : vector<16xf32> to vector<1x16xf32>
          tpu.vector_store %arg10[%swap3A_1072, %swap3A_1073], %swap3A_1076 {strides = array<i32>} : memref<64x512xf32, #tpu.memory_space<vmem>>, vector<1x16xf32>,
          %sub3A_1077 = arith.constant 1.000000e+00 : f32
          %sub3A_1078 = vector.broadcast %sub3A_1077 : f32 to vector<16xf32>
          %sub3A_1079 = arith.subf %sub3A_1078, %gather3A_519 : vector<16xf32>
          %get3A_1080 = arith.constant 288 : index
          %get3A_1081 = tpu.vector_load %arg7[%get3A_1080] {strides = array<i32>} : memref<512xf32, #tpu.memory_space<vmem>>, vector<16xf32>,
          %get3A_1082 = vector.shape_cast %get3A_1081 : vector<16xf32> to vector<16xf32>
          %sub3A_1083 = arith.subf %sub3A_1079, %get3A_1082 : vector<16xf32>
          %get3A_1084 = arith.index_cast %scan3A_477 : i32 to index
          %get3A_1085 = arith.constant 288 : index
          %get3A_1086 = tpu.vector_load %arg9[%get3A_1084, %get3A_1085] {strides = array<i32>} : memref<64x512xf32, #tpu.memory_space<vmem>>, vector<1x16xf32>,
          %get3A_1087 = vector.shape_cast %get3A_1086 : vector<1x16xf32> to vector<16xf32>
          %mul3A_1088 = arith.mulf %sub3A_1083, %get3A_1087 : vector<16xf32>
          %get3A_1089 = arith.constant 288 : index
          %get3A_1090 = tpu.vector_load %arg8[%get3A_1089] {strides = array<i32>} : memref<512xf32, #tpu.memory_space<vmem>>, vector<16xf32>,
          %get3A_1091 = vector.shape_cast %get3A_1090 : vector<16xf32> to vector<16xf32>
          %mul3A_1092 = arith.mulf %gather3A_519, %get3A_1091 : vector<16xf32>
          %add3A_1093 = arith.addf %mul3A_1088, %mul3A_1092 : vector<16xf32>
          %iota3A_1094 = tpu.iota {dimensions = array<i32: 0>} : vector<16xi32>
          %add3A_1095 = arith.constant 288 : i32
          %add3A_1096 = vector.broadcast %add3A_1095 : i32 to vector<16xi32>
          %add3A_1097 = arith.addi %iota3A_1094, %add3A_1096 : vector<16xi32>
          %eq3A_1098 = vector.broadcast %add3A_481 : i32 to vector<16xi32>
          %eq3A_1099 = arith.cmpi eq, %add3A_1097, %eq3A_1098 : vector<16xi32>
          %jit3A_1100 = arith.constant 0.000000e+00 : f32
          %broadcast_in_dim3A_1101 = vector.broadcast %jit3A_1100 : f32 to vector<16xf32>
          %select_n3A_1102 = arith.select %eq3A_1099, %broadcast_in_dim3A_1101, %add3A_1093 : vector<16xi1>, vector<16xf32>
          %swap3A_1103 = arith.index_cast %scan3A_477 : i32 to index
          %swap3A_1104 = arith.constant 288 : index
          %swap3A_1105 = tpu.vector_load %arg10[%swap3A_1103, %swap3A_1104] {strides = array<i32>} : memref<64x512xf32, #tpu.memory_space<vmem>>, vector<1x16xf32>,
          %swap3A_1106 = vector.shape_cast %swap3A_1105 : vector<1x16xf32> to vector<16xf32>
          %swap3A_1107 = vector.shape_cast %select_n3A_1102 : vector<16xf32> to vector<1x16xf32>
          tpu.vector_store %arg10[%swap3A_1103, %swap3A_1104], %swap3A_1107 {strides = array<i32>} : memref<64x512xf32, #tpu.memory_space<vmem>>, vector<1x16xf32>,
          %sub3A_1108 = arith.constant 1.000000e+00 : f32
          %sub3A_1109 = vector.broadcast %sub3A_1108 : f32 to vector<16xf32>
          %sub3A_1110 = arith.subf %sub3A_1109, %gather3A_519 : vector<16xf32>
          %get3A_1111 = arith.constant 304 : index
          %get3A_1112 = tpu.vector_load %arg7[%get3A_1111] {strides = array<i32>} : memref<512xf32, #tpu.memory_space<vmem>>, vector<16xf32>,
          %get3A_1113 = vector.shape_cast %get3A_1112 : vector<16xf32> to vector<16xf32>
          %sub3A_1114 = arith.subf %sub3A_1110, %get3A_1113 : vector<16xf32>
          %get3A_1115 = arith.index_cast %scan3A_477 : i32 to index
          %get3A_1116 = arith.constant 304 : index
          %get3A_1117 = tpu.vector_load %arg9[%get3A_1115, %get3A_1116] {strides = array<i32>} : memref<64x512xf32, #tpu.memory_space<vmem>>, vector<1x16xf32>,
          %get3A_1118 = vector.shape_cast %get3A_1117 : vector<1x16xf32> to vector<16xf32>
          %mul3A_1119 = arith.mulf %sub3A_1114, %get3A_1118 : vector<16xf32>
          %get3A_1120 = arith.constant 304 : index
          %get3A_1121 = tpu.vector_load %arg8[%get3A_1120] {strides = array<i32>} : memref<512xf32, #tpu.memory_space<vmem>>, vector<16xf32>,
          %get3A_1122 = vector.shape_cast %get3A_1121 : vector<16xf32> to vector<16xf32>
          %mul3A_1123 = arith.mulf %gather3A_519, %get3A_1122 : vector<16xf32>
          %add3A_1124 = arith.addf %mul3A_1119, %mul3A_1123 : vector<16xf32>
          %iota3A_1125 = tpu.iota {dimensions = array<i32: 0>} : vector<16xi32>
          %add3A_1126 = arith.constant 304 : i32
          %add3A_1127 = vector.broadcast %add3A_1126 : i32 to vector<16xi32>
          %add3A_1128 = arith.addi %iota3A_1125, %add3A_1127 : vector<16xi32>
          %eq3A_1129 = vector.broadcast %add3A_481 : i32 to vector<16xi32>
          %eq3A_1130 = arith.cmpi eq, %add3A_1128, %eq3A_1129 : vector<16xi32>
          %jit3A_1131 = arith.constant 0.000000e+00 : f32
          %broadcast_in_dim3A_1132 = vector.broadcast %jit3A_1131 : f32 to vector<16xf32>
          %select_n3A_1133 = arith.select %eq3A_1130, %broadcast_in_dim3A_1132, %add3A_1124 : vector<16xi1>, vector<16xf32>
          %swap3A_1134 = arith.index_cast %scan3A_477 : i32 to index
          %swap3A_1135 = arith.constant 304 : index
          %swap3A_1136 = tpu.vector_load %arg10[%swap3A_1134, %swap3A_1135] {strides = array<i32>} : memref<64x512xf32, #tpu.memory_space<vmem>>, vector<1x16xf32>,
          %swap3A_1137 = vector.shape_cast %swap3A_1136 : vector<1x16xf32> to vector<16xf32>
          %swap3A_1138 = vector.shape_cast %select_n3A_1133 : vector<16xf32> to vector<1x16xf32>
          tpu.vector_store %arg10[%swap3A_1134, %swap3A_1135], %swap3A_1138 {strides = array<i32>} : memref<64x512xf32, #tpu.memory_space<vmem>>, vector<1x16xf32>,
          %sub3A_1139 = arith.constant 1.000000e+00 : f32
          %sub3A_1140 = vector.broadcast %sub3A_1139 : f32 to vector<16xf32>
          %sub3A_1141 = arith.subf %sub3A_1140, %gather3A_519 : vector<16xf32>
          %get3A_1142 = arith.constant 320 : index
          %get3A_1143 = tpu.vector_load %arg7[%get3A_1142] {strides = array<i32>} : memref<512xf32, #tpu.memory_space<vmem>>, vector<16xf32>,
          %get3A_1144 = vector.shape_cast %get3A_1143 : vector<16xf32> to vector<16xf32>
          %sub3A_1145 = arith.subf %sub3A_1141, %get3A_1144 : vector<16xf32>
          %get3A_1146 = arith.index_cast %scan3A_477 : i32 to index
          %get3A_1147 = arith.constant 320 : index
          %get3A_1148 = tpu.vector_load %arg9[%get3A_1146, %get3A_1147] {strides = array<i32>} : memref<64x512xf32, #tpu.memory_space<vmem>>, vector<1x16xf32>,
          %get3A_1149 = vector.shape_cast %get3A_1148 : vector<1x16xf32> to vector<16xf32>
          %mul3A_1150 = arith.mulf %sub3A_1145, %get3A_1149 : vector<16xf32>
          %get3A_1151 = arith.constant 320 : index
          %get3A_1152 = tpu.vector_load %arg8[%get3A_1151] {strides = array<i32>} : memref<512xf32, #tpu.memory_space<vmem>>, vector<16xf32>,
          %get3A_1153 = vector.shape_cast %get3A_1152 : vector<16xf32> to vector<16xf32>
          %mul3A_1154 = arith.mulf %gather3A_519, %get3A_1153 : vector<16xf32>
          %add3A_1155 = arith.addf %mul3A_1150, %mul3A_1154 : vector<16xf32>
          %iota3A_1156 = tpu.iota {dimensions = array<i32: 0>} : vector<16xi32>
          %add3A_1157 = arith.constant 320 : i32
          %add3A_1158 = vector.broadcast %add3A_1157 : i32 to vector<16xi32>
          %add3A_1159 = arith.addi %iota3A_1156, %add3A_1158 : vector<16xi32>
          %eq3A_1160 = vector.broadcast %add3A_481 : i32 to vector<16xi32>
          %eq3A_1161 = arith.cmpi eq, %add3A_1159, %eq3A_1160 : vector<16xi32>
          %jit3A_1162 = arith.constant 0.000000e+00 : f32
          %broadcast_in_dim3A_1163 = vector.broadcast %jit3A_1162 : f32 to vector<16xf32>
          %select_n3A_1164 = arith.select %eq3A_1161, %broadcast_in_dim3A_1163, %add3A_1155 : vector<16xi1>, vector<16xf32>
          %swap3A_1165 = arith.index_cast %scan3A_477 : i32 to index
          %swap3A_1166 = arith.constant 320 : index
          %swap3A_1167 = tpu.vector_load %arg10[%swap3A_1165, %swap3A_1166] {strides = array<i32>} : memref<64x512xf32, #tpu.memory_space<vmem>>, vector<1x16xf32>,
          %swap3A_1168 = vector.shape_cast %swap3A_1167 : vector<1x16xf32> to vector<16xf32>
          %swap3A_1169 = vector.shape_cast %select_n3A_1164 : vector<16xf32> to vector<1x16xf32>
          tpu.vector_store %arg10[%swap3A_1165, %swap3A_1166], %swap3A_1169 {strides = array<i32>} : memref<64x512xf32, #tpu.memory_space<vmem>>, vector<1x16xf32>,
          %sub3A_1170 = arith.constant 1.000000e+00 : f32
          %sub3A_1171 = vector.broadcast %sub3A_1170 : f32 to vector<16xf32>
          %sub3A_1172 = arith.subf %sub3A_1171, %gather3A_519 : vector<16xf32>
          %get3A_1173 = arith.constant 336 : index
          %get3A_1174 = tpu.vector_load %arg7[%get3A_1173] {strides = array<i32>} : memref<512xf32, #tpu.memory_space<vmem>>, vector<16xf32>,
          %get3A_1175 = vector.shape_cast %get3A_1174 : vector<16xf32> to vector<16xf32>
          %sub3A_1176 = arith.subf %sub3A_1172, %get3A_1175 : vector<16xf32>
          %get3A_1177 = arith.index_cast %scan3A_477 : i32 to index
          %get3A_1178 = arith.constant 336 : index
          %get3A_1179 = tpu.vector_load %arg9[%get3A_1177, %get3A_1178] {strides = array<i32>} : memref<64x512xf32, #tpu.memory_space<vmem>>, vector<1x16xf32>,
          %get3A_1180 = vector.shape_cast %get3A_1179 : vector<1x16xf32> to vector<16xf32>
          %mul3A_1181 = arith.mulf %sub3A_1176, %get3A_1180 : vector<16xf32>
          %get3A_1182 = arith.constant 336 : index
          %get3A_1183 = tpu.vector_load %arg8[%get3A_1182] {strides = array<i32>} : memref<512xf32, #tpu.memory_space<vmem>>, vector<16xf32>,
          %get3A_1184 = vector.shape_cast %get3A_1183 : vector<16xf32> to vector<16xf32>
          %mul3A_1185 = arith.mulf %gather3A_519, %get3A_1184 : vector<16xf32>
          %add3A_1186 = arith.addf %mul3A_1181, %mul3A_1185 : vector<16xf32>
          %iota3A_1187 = tpu.iota {dimensions = array<i32: 0>} : vector<16xi32>
          %add3A_1188 = arith.constant 336 : i32
          %add3A_1189 = vector.broadcast %add3A_1188 : i32 to vector<16xi32>
          %add3A_1190 = arith.addi %iota3A_1187, %add3A_1189 : vector<16xi32>
          %eq3A_1191 = vector.broadcast %add3A_481 : i32 to vector<16xi32>
          %eq3A_1192 = arith.cmpi eq, %add3A_1190, %eq3A_1191 : vector<16xi32>
          %jit3A_1193 = arith.constant 0.000000e+00 : f32
          %broadcast_in_dim3A_1194 = vector.broadcast %jit3A_1193 : f32 to vector<16xf32>
          %select_n3A_1195 = arith.select %eq3A_1192, %broadcast_in_dim3A_1194, %add3A_1186 : vector<16xi1>, vector<16xf32>
          %swap3A_1196 = arith.index_cast %scan3A_477 : i32 to index
          %swap3A_1197 = arith.constant 336 : index
          %swap3A_1198 = tpu.vector_load %arg10[%swap3A_1196, %swap3A_1197] {strides = array<i32>} : memref<64x512xf32, #tpu.memory_space<vmem>>, vector<1x16xf32>,
          %swap3A_1199 = vector.shape_cast %swap3A_1198 : vector<1x16xf32> to vector<16xf32>
          %swap3A_1200 = vector.shape_cast %select_n3A_1195 : vector<16xf32> to vector<1x16xf32>
          tpu.vector_store %arg10[%swap3A_1196, %swap3A_1197], %swap3A_1200 {strides = array<i32>} : memref<64x512xf32, #tpu.memory_space<vmem>>, vector<1x16xf32>,
          %sub3A_1201 = arith.constant 1.000000e+00 : f32
          %sub3A_1202 = vector.broadcast %sub3A_1201 : f32 to vector<16xf32>
          %sub3A_1203 = arith.subf %sub3A_1202, %gather3A_519 : vector<16xf32>
          %get3A_1204 = arith.constant 352 : index
          %get3A_1205 = tpu.vector_load %arg7[%get3A_1204] {strides = array<i32>} : memref<512xf32, #tpu.memory_space<vmem>>, vector<16xf32>,
          %get3A_1206 = vector.shape_cast %get3A_1205 : vector<16xf32> to vector<16xf32>
          %sub3A_1207 = arith.subf %sub3A_1203, %get3A_1206 : vector<16xf32>
          %get3A_1208 = arith.index_cast %scan3A_477 : i32 to index
          %get3A_1209 = arith.constant 352 : index
          %get3A_1210 = tpu.vector_load %arg9[%get3A_1208, %get3A_1209] {strides = array<i32>} : memref<64x512xf32, #tpu.memory_space<vmem>>, vector<1x16xf32>,
          %get3A_1211 = vector.shape_cast %get3A_1210 : vector<1x16xf32> to vector<16xf32>
          %mul3A_1212 = arith.mulf %sub3A_1207, %get3A_1211 : vector<16xf32>
          %get3A_1213 = arith.constant 352 : index
          %get3A_1214 = tpu.vector_load %arg8[%get3A_1213] {strides = array<i32>} : memref<512xf32, #tpu.memory_space<vmem>>, vector<16xf32>,
          %get3A_1215 = vector.shape_cast %get3A_1214 : vector<16xf32> to vector<16xf32>
          %mul3A_1216 = arith.mulf %gather3A_519, %get3A_1215 : vector<16xf32>
          %add3A_1217 = arith.addf %mul3A_1212, %mul3A_1216 : vector<16xf32>
          %iota3A_1218 = tpu.iota {dimensions = array<i32: 0>} : vector<16xi32>
          %add3A_1219 = arith.constant 352 : i32
          %add3A_1220 = vector.broadcast %add3A_1219 : i32 to vector<16xi32>
          %add3A_1221 = arith.addi %iota3A_1218, %add3A_1220 : vector<16xi32>
          %eq3A_1222 = vector.broadcast %add3A_481 : i32 to vector<16xi32>
          %eq3A_1223 = arith.cmpi eq, %add3A_1221, %eq3A_1222 : vector<16xi32>
          %jit3A_1224 = arith.constant 0.000000e+00 : f32
          %broadcast_in_dim3A_1225 = vector.broadcast %jit3A_1224 : f32 to vector<16xf32>
          %select_n3A_1226 = arith.select %eq3A_1223, %broadcast_in_dim3A_1225, %add3A_1217 : vector<16xi1>, vector<16xf32>
          %swap3A_1227 = arith.index_cast %scan3A_477 : i32 to index
          %swap3A_1228 = arith.constant 352 : index
          %swap3A_1229 = tpu.vector_load %arg10[%swap3A_1227, %swap3A_1228] {strides = array<i32>} : memref<64x512xf32, #tpu.memory_space<vmem>>, vector<1x16xf32>,
          %swap3A_1230 = vector.shape_cast %swap3A_1229 : vector<1x16xf32> to vector<16xf32>
          %swap3A_1231 = vector.shape_cast %select_n3A_1226 : vector<16xf32> to vector<1x16xf32>
          tpu.vector_store %arg10[%swap3A_1227, %swap3A_1228], %swap3A_1231 {strides = array<i32>} : memref<64x512xf32, #tpu.memory_space<vmem>>, vector<1x16xf32>,
          %sub3A_1232 = arith.constant 1.000000e+00 : f32
          %sub3A_1233 = vector.broadcast %sub3A_1232 : f32 to vector<16xf32>
          %sub3A_1234 = arith.subf %sub3A_1233, %gather3A_519 : vector<16xf32>
          %get3A_1235 = arith.constant 368 : index
          %get3A_1236 = tpu.vector_load %arg7[%get3A_1235] {strides = array<i32>} : memref<512xf32, #tpu.memory_space<vmem>>, vector<16xf32>,
          %get3A_1237 = vector.shape_cast %get3A_1236 : vector<16xf32> to vector<16xf32>
          %sub3A_1238 = arith.subf %sub3A_1234, %get3A_1237 : vector<16xf32>
          %get3A_1239 = arith.index_cast %scan3A_477 : i32 to index
          %get3A_1240 = arith.constant 368 : index
          %get3A_1241 = tpu.vector_load %arg9[%get3A_1239, %get3A_1240] {strides = array<i32>} : memref<64x512xf32, #tpu.memory_space<vmem>>, vector<1x16xf32>,
          %get3A_1242 = vector.shape_cast %get3A_1241 : vector<1x16xf32> to vector<16xf32>
          %mul3A_1243 = arith.mulf %sub3A_1238, %get3A_1242 : vector<16xf32>
          %get3A_1244 = arith.constant 368 : index
          %get3A_1245 = tpu.vector_load %arg8[%get3A_1244] {strides = array<i32>} : memref<512xf32, #tpu.memory_space<vmem>>, vector<16xf32>,
          %get3A_1246 = vector.shape_cast %get3A_1245 : vector<16xf32> to vector<16xf32>
          %mul3A_1247 = arith.mulf %gather3A_519, %get3A_1246 : vector<16xf32>
          %add3A_1248 = arith.addf %mul3A_1243, %mul3A_1247 : vector<16xf32>
          %iota3A_1249 = tpu.iota {dimensions = array<i32: 0>} : vector<16xi32>
          %add3A_1250 = arith.constant 368 : i32
          %add3A_1251 = vector.broadcast %add3A_1250 : i32 to vector<16xi32>
          %add3A_1252 = arith.addi %iota3A_1249, %add3A_1251 : vector<16xi32>
          %eq3A_1253 = vector.broadcast %add3A_481 : i32 to vector<16xi32>
          %eq3A_1254 = arith.cmpi eq, %add3A_1252, %eq3A_1253 : vector<16xi32>
          %jit3A_1255 = arith.constant 0.000000e+00 : f32
          %broadcast_in_dim3A_1256 = vector.broadcast %jit3A_1255 : f32 to vector<16xf32>
          %select_n3A_1257 = arith.select %eq3A_1254, %broadcast_in_dim3A_1256, %add3A_1248 : vector<16xi1>, vector<16xf32>
          %swap3A_1258 = arith.index_cast %scan3A_477 : i32 to index
          %swap3A_1259 = arith.constant 368 : index
          %swap3A_1260 = tpu.vector_load %arg10[%swap3A_1258, %swap3A_1259] {strides = array<i32>} : memref<64x512xf32, #tpu.memory_space<vmem>>, vector<1x16xf32>,
          %swap3A_1261 = vector.shape_cast %swap3A_1260 : vector<1x16xf32> to vector<16xf32>
          %swap3A_1262 = vector.shape_cast %select_n3A_1257 : vector<16xf32> to vector<1x16xf32>
          tpu.vector_store %arg10[%swap3A_1258, %swap3A_1259], %swap3A_1262 {strides = array<i32>} : memref<64x512xf32, #tpu.memory_space<vmem>>, vector<1x16xf32>,
          %sub3A_1263 = arith.constant 1.000000e+00 : f32
          %sub3A_1264 = vector.broadcast %sub3A_1263 : f32 to vector<16xf32>
          %sub3A_1265 = arith.subf %sub3A_1264, %gather3A_519 : vector<16xf32>
          %get3A_1266 = arith.constant 384 : index
          %get3A_1267 = tpu.vector_load %arg7[%get3A_1266] {strides = array<i32>} : memref<512xf32, #tpu.memory_space<vmem>>, vector<16xf32>,
          %get3A_1268 = vector.shape_cast %get3A_1267 : vector<16xf32> to vector<16xf32>
          %sub3A_1269 = arith.subf %sub3A_1265, %get3A_1268 : vector<16xf32>
          %get3A_1270 = arith.index_cast %scan3A_477 : i32 to index
          %get3A_1271 = arith.constant 384 : index
          %get3A_1272 = tpu.vector_load %arg9[%get3A_1270, %get3A_1271] {strides = array<i32>} : memref<64x512xf32, #tpu.memory_space<vmem>>, vector<1x16xf32>,
          %get3A_1273 = vector.shape_cast %get3A_1272 : vector<1x16xf32> to vector<16xf32>
          %mul3A_1274 = arith.mulf %sub3A_1269, %get3A_1273 : vector<16xf32>
          %get3A_1275 = arith.constant 384 : index
          %get3A_1276 = tpu.vector_load %arg8[%get3A_1275] {strides = array<i32>} : memref<512xf32, #tpu.memory_space<vmem>>, vector<16xf32>,
          %get3A_1277 = vector.shape_cast %get3A_1276 : vector<16xf32> to vector<16xf32>
          %mul3A_1278 = arith.mulf %gather3A_519, %get3A_1277 : vector<16xf32>
          %add3A_1279 = arith.addf %mul3A_1274, %mul3A_1278 : vector<16xf32>
          %iota3A_1280 = tpu.iota {dimensions = array<i32: 0>} : vector<16xi32>
          %add3A_1281 = arith.constant 384 : i32
          %add3A_1282 = vector.broadcast %add3A_1281 : i32 to vector<16xi32>
          %add3A_1283 = arith.addi %iota3A_1280, %add3A_1282 : vector<16xi32>
          %eq3A_1284 = vector.broadcast %add3A_481 : i32 to vector<16xi32>
          %eq3A_1285 = arith.cmpi eq, %add3A_1283, %eq3A_1284 : vector<16xi32>
          %jit3A_1286 = arith.constant 0.000000e+00 : f32
          %broadcast_in_dim3A_1287 = vector.broadcast %jit3A_1286 : f32 to vector<16xf32>
          %select_n3A_1288 = arith.select %eq3A_1285, %broadcast_in_dim3A_1287, %add3A_1279 : vector<16xi1>, vector<16xf32>
          %swap3A_1289 = arith.index_cast %scan3A_477 : i32 to index
          %swap3A_1290 = arith.constant 384 : index
          %swap3A_1291 = tpu.vector_load %arg10[%swap3A_1289, %swap3A_1290] {strides = array<i32>} : memref<64x512xf32, #tpu.memory_space<vmem>>, vector<1x16xf32>,
          %swap3A_1292 = vector.shape_cast %swap3A_1291 : vector<1x16xf32> to vector<16xf32>
          %swap3A_1293 = vector.shape_cast %select_n3A_1288 : vector<16xf32> to vector<1x16xf32>
          tpu.vector_store %arg10[%swap3A_1289, %swap3A_1290], %swap3A_1293 {strides = array<i32>} : memref<64x512xf32, #tpu.memory_space<vmem>>, vector<1x16xf32>,
          %sub3A_1294 = arith.constant 1.000000e+00 : f32
          %sub3A_1295 = vector.broadcast %sub3A_1294 : f32 to vector<16xf32>
          %sub3A_1296 = arith.subf %sub3A_1295, %gather3A_519 : vector<16xf32>
          %get3A_1297 = arith.constant 400 : index
          %get3A_1298 = tpu.vector_load %arg7[%get3A_1297] {strides = array<i32>} : memref<512xf32, #tpu.memory_space<vmem>>, vector<16xf32>,
          %get3A_1299 = vector.shape_cast %get3A_1298 : vector<16xf32> to vector<16xf32>
          %sub3A_1300 = arith.subf %sub3A_1296, %get3A_1299 : vector<16xf32>
          %get3A_1301 = arith.index_cast %scan3A_477 : i32 to index
          %get3A_1302 = arith.constant 400 : index
          %get3A_1303 = tpu.vector_load %arg9[%get3A_1301, %get3A_1302] {strides = array<i32>} : memref<64x512xf32, #tpu.memory_space<vmem>>, vector<1x16xf32>,
          %get3A_1304 = vector.shape_cast %get3A_1303 : vector<1x16xf32> to vector<16xf32>
          %mul3A_1305 = arith.mulf %sub3A_1300, %get3A_1304 : vector<16xf32>
          %get3A_1306 = arith.constant 400 : index
          %get3A_1307 = tpu.vector_load %arg8[%get3A_1306] {strides = array<i32>} : memref<512xf32, #tpu.memory_space<vmem>>, vector<16xf32>,
          %get3A_1308 = vector.shape_cast %get3A_1307 : vector<16xf32> to vector<16xf32>
          %mul3A_1309 = arith.mulf %gather3A_519, %get3A_1308 : vector<16xf32>
          %add3A_1310 = arith.addf %mul3A_1305, %mul3A_1309 : vector<16xf32>
          %iota3A_1311 = tpu.iota {dimensions = array<i32: 0>} : vector<16xi32>
          %add3A_1312 = arith.constant 400 : i32
          %add3A_1313 = vector.broadcast %add3A_1312 : i32 to vector<16xi32>
          %add3A_1314 = arith.addi %iota3A_1311, %add3A_1313 : vector<16xi32>
          %eq3A_1315 = vector.broadcast %add3A_481 : i32 to vector<16xi32>
          %eq3A_1316 = arith.cmpi eq, %add3A_1314, %eq3A_1315 : vector<16xi32>
          %jit3A_1317 = arith.constant 0.000000e+00 : f32
          %broadcast_in_dim3A_1318 = vector.broadcast %jit3A_1317 : f32 to vector<16xf32>
          %select_n3A_1319 = arith.select %eq3A_1316, %broadcast_in_dim3A_1318, %add3A_1310 : vector<16xi1>, vector<16xf32>
          %swap3A_1320 = arith.index_cast %scan3A_477 : i32 to index
          %swap3A_1321 = arith.constant 400 : index
          %swap3A_1322 = tpu.vector_load %arg10[%swap3A_1320, %swap3A_1321] {strides = array<i32>} : memref<64x512xf32, #tpu.memory_space<vmem>>, vector<1x16xf32>,
          %swap3A_1323 = vector.shape_cast %swap3A_1322 : vector<1x16xf32> to vector<16xf32>
          %swap3A_1324 = vector.shape_cast %select_n3A_1319 : vector<16xf32> to vector<1x16xf32>
          tpu.vector_store %arg10[%swap3A_1320, %swap3A_1321], %swap3A_1324 {strides = array<i32>} : memref<64x512xf32, #tpu.memory_space<vmem>>, vector<1x16xf32>,
          %sub3A_1325 = arith.constant 1.000000e+00 : f32
          %sub3A_1326 = vector.broadcast %sub3A_1325 : f32 to vector<16xf32>
          %sub3A_1327 = arith.subf %sub3A_1326, %gather3A_519 : vector<16xf32>
          %get3A_1328 = arith.constant 416 : index
          %get3A_1329 = tpu.vector_load %arg7[%get3A_1328] {strides = array<i32>} : memref<512xf32, #tpu.memory_space<vmem>>, vector<16xf32>,
          %get3A_1330 = vector.shape_cast %get3A_1329 : vector<16xf32> to vector<16xf32>
          %sub3A_1331 = arith.subf %sub3A_1327, %get3A_1330 : vector<16xf32>
          %get3A_1332 = arith.index_cast %scan3A_477 : i32 to index
          %get3A_1333 = arith.constant 416 : index
          %get3A_1334 = tpu.vector_load %arg9[%get3A_1332, %get3A_1333] {strides = array<i32>} : memref<64x512xf32, #tpu.memory_space<vmem>>, vector<1x16xf32>,
          %get3A_1335 = vector.shape_cast %get3A_1334 : vector<1x16xf32> to vector<16xf32>
          %mul3A_1336 = arith.mulf %sub3A_1331, %get3A_1335 : vector<16xf32>
          %get3A_1337 = arith.constant 416 : index
          %get3A_1338 = tpu.vector_load %arg8[%get3A_1337] {strides = array<i32>} : memref<512xf32, #tpu.memory_space<vmem>>, vector<16xf32>,
          %get3A_1339 = vector.shape_cast %get3A_1338 : vector<16xf32> to vector<16xf32>
          %mul3A_1340 = arith.mulf %gather3A_519, %get3A_1339 : vector<16xf32>
          %add3A_1341 = arith.addf %mul3A_1336, %mul3A_1340 : vector<16xf32>
          %iota3A_1342 = tpu.iota {dimensions = array<i32: 0>} : vector<16xi32>
          %add3A_1343 = arith.constant 416 : i32
          %add3A_1344 = vector.broadcast %add3A_1343 : i32 to vector<16xi32>
          %add3A_1345 = arith.addi %iota3A_1342, %add3A_1344 : vector<16xi32>
          %eq3A_1346 = vector.broadcast %add3A_481 : i32 to vector<16xi32>
          %eq3A_1347 = arith.cmpi eq, %add3A_1345, %eq3A_1346 : vector<16xi32>
          %jit3A_1348 = arith.constant 0.000000e+00 : f32
          %broadcast_in_dim3A_1349 = vector.broadcast %jit3A_1348 : f32 to vector<16xf32>
          %select_n3A_1350 = arith.select %eq3A_1347, %broadcast_in_dim3A_1349, %add3A_1341 : vector<16xi1>, vector<16xf32>
          %swap3A_1351 = arith.index_cast %scan3A_477 : i32 to index
          %swap3A_1352 = arith.constant 416 : index
          %swap3A_1353 = tpu.vector_load %arg10[%swap3A_1351, %swap3A_1352] {strides = array<i32>} : memref<64x512xf32, #tpu.memory_space<vmem>>, vector<1x16xf32>,
          %swap3A_1354 = vector.shape_cast %swap3A_1353 : vector<1x16xf32> to vector<16xf32>
          %swap3A_1355 = vector.shape_cast %select_n3A_1350 : vector<16xf32> to vector<1x16xf32>
          tpu.vector_store %arg10[%swap3A_1351, %swap3A_1352], %swap3A_1355 {strides = array<i32>} : memref<64x512xf32, #tpu.memory_space<vmem>>, vector<1x16xf32>,
          %sub3A_1356 = arith.constant 1.000000e+00 : f32
          %sub3A_1357 = vector.broadcast %sub3A_1356 : f32 to vector<16xf32>
          %sub3A_1358 = arith.subf %sub3A_1357, %gather3A_519 : vector<16xf32>
          %get3A_1359 = arith.constant 432 : index
          %get3A_1360 = tpu.vector_load %arg7[%get3A_1359] {strides = array<i32>} : memref<512xf32, #tpu.memory_space<vmem>>, vector<16xf32>,
          %get3A_1361 = vector.shape_cast %get3A_1360 : vector<16xf32> to vector<16xf32>
          %sub3A_1362 = arith.subf %sub3A_1358, %get3A_1361 : vector<16xf32>
          %get3A_1363 = arith.index_cast %scan3A_477 : i32 to index
          %get3A_1364 = arith.constant 432 : index
          %get3A_1365 = tpu.vector_load %arg9[%get3A_1363, %get3A_1364] {strides = array<i32>} : memref<64x512xf32, #tpu.memory_space<vmem>>, vector<1x16xf32>,
          %get3A_1366 = vector.shape_cast %get3A_1365 : vector<1x16xf32> to vector<16xf32>
          %mul3A_1367 = arith.mulf %sub3A_1362, %get3A_1366 : vector<16xf32>
          %get3A_1368 = arith.constant 432 : index
          %get3A_1369 = tpu.vector_load %arg8[%get3A_1368] {strides = array<i32>} : memref<512xf32, #tpu.memory_space<vmem>>, vector<16xf32>,
          %get3A_1370 = vector.shape_cast %get3A_1369 : vector<16xf32> to vector<16xf32>
          %mul3A_1371 = arith.mulf %gather3A_519, %get3A_1370 : vector<16xf32>
          %add3A_1372 = arith.addf %mul3A_1367, %mul3A_1371 : vector<16xf32>
          %iota3A_1373 = tpu.iota {dimensions = array<i32: 0>} : vector<16xi32>
          %add3A_1374 = arith.constant 432 : i32
          %add3A_1375 = vector.broadcast %add3A_1374 : i32 to vector<16xi32>
          %add3A_1376 = arith.addi %iota3A_1373, %add3A_1375 : vector<16xi32>
          %eq3A_1377 = vector.broadcast %add3A_481 : i32 to vector<16xi32>
          %eq3A_1378 = arith.cmpi eq, %add3A_1376, %eq3A_1377 : vector<16xi32>
          %jit3A_1379 = arith.constant 0.000000e+00 : f32
          %broadcast_in_dim3A_1380 = vector.broadcast %jit3A_1379 : f32 to vector<16xf32>
          %select_n3A_1381 = arith.select %eq3A_1378, %broadcast_in_dim3A_1380, %add3A_1372 : vector<16xi1>, vector<16xf32>
          %swap3A_1382 = arith.index_cast %scan3A_477 : i32 to index
          %swap3A_1383 = arith.constant 432 : index
          %swap3A_1384 = tpu.vector_load %arg10[%swap3A_1382, %swap3A_1383] {strides = array<i32>} : memref<64x512xf32, #tpu.memory_space<vmem>>, vector<1x16xf32>,
          %swap3A_1385 = vector.shape_cast %swap3A_1384 : vector<1x16xf32> to vector<16xf32>
          %swap3A_1386 = vector.shape_cast %select_n3A_1381 : vector<16xf32> to vector<1x16xf32>
          tpu.vector_store %arg10[%swap3A_1382, %swap3A_1383], %swap3A_1386 {strides = array<i32>} : memref<64x512xf32, #tpu.memory_space<vmem>>, vector<1x16xf32>,
          %sub3A_1387 = arith.constant 1.000000e+00 : f32
          %sub3A_1388 = vector.broadcast %sub3A_1387 : f32 to vector<16xf32>
          %sub3A_1389 = arith.subf %sub3A_1388, %gather3A_519 : vector<16xf32>
          %get3A_1390 = arith.constant 448 : index
          %get3A_1391 = tpu.vector_load %arg7[%get3A_1390] {strides = array<i32>} : memref<512xf32, #tpu.memory_space<vmem>>, vector<16xf32>,
          %get3A_1392 = vector.shape_cast %get3A_1391 : vector<16xf32> to vector<16xf32>
          %sub3A_1393 = arith.subf %sub3A_1389, %get3A_1392 : vector<16xf32>
          %get3A_1394 = arith.index_cast %scan3A_477 : i32 to index
          %get3A_1395 = arith.constant 448 : index
          %get3A_1396 = tpu.vector_load %arg9[%get3A_1394, %get3A_1395] {strides = array<i32>} : memref<64x512xf32, #tpu.memory_space<vmem>>, vector<1x16xf32>,
          %get3A_1397 = vector.shape_cast %get3A_1396 : vector<1x16xf32> to vector<16xf32>
          %mul3A_1398 = arith.mulf %sub3A_1393, %get3A_1397 : vector<16xf32>
          %get3A_1399 = arith.constant 448 : index
          %get3A_1400 = tpu.vector_load %arg8[%get3A_1399] {strides = array<i32>} : memref<512xf32, #tpu.memory_space<vmem>>, vector<16xf32>,
          %get3A_1401 = vector.shape_cast %get3A_1400 : vector<16xf32> to vector<16xf32>
          %mul3A_1402 = arith.mulf %gather3A_519, %get3A_1401 : vector<16xf32>
          %add3A_1403 = arith.addf %mul3A_1398, %mul3A_1402 : vector<16xf32>
          %iota3A_1404 = tpu.iota {dimensions = array<i32: 0>} : vector<16xi32>
          %add3A_1405 = arith.constant 448 : i32
          %add3A_1406 = vector.broadcast %add3A_1405 : i32 to vector<16xi32>
          %add3A_1407 = arith.addi %iota3A_1404, %add3A_1406 : vector<16xi32>
          %eq3A_1408 = vector.broadcast %add3A_481 : i32 to vector<16xi32>
          %eq3A_1409 = arith.cmpi eq, %add3A_1407, %eq3A_1408 : vector<16xi32>
          %jit3A_1410 = arith.constant 0.000000e+00 : f32
          %broadcast_in_dim3A_1411 = vector.broadcast %jit3A_1410 : f32 to vector<16xf32>
          %select_n3A_1412 = arith.select %eq3A_1409, %broadcast_in_dim3A_1411, %add3A_1403 : vector<16xi1>, vector<16xf32>
          %swap3A_1413 = arith.index_cast %scan3A_477 : i32 to index
          %swap3A_1414 = arith.constant 448 : index
          %swap3A_1415 = tpu.vector_load %arg10[%swap3A_1413, %swap3A_1414] {strides = array<i32>} : memref<64x512xf32, #tpu.memory_space<vmem>>, vector<1x16xf32>,
          %swap3A_1416 = vector.shape_cast %swap3A_1415 : vector<1x16xf32> to vector<16xf32>
          %swap3A_1417 = vector.shape_cast %select_n3A_1412 : vector<16xf32> to vector<1x16xf32>
          tpu.vector_store %arg10[%swap3A_1413, %swap3A_1414], %swap3A_1417 {strides = array<i32>} : memref<64x512xf32, #tpu.memory_space<vmem>>, vector<1x16xf32>,
          %sub3A_1418 = arith.constant 1.000000e+00 : f32
          %sub3A_1419 = vector.broadcast %sub3A_1418 : f32 to vector<16xf32>
          %sub3A_1420 = arith.subf %sub3A_1419, %gather3A_519 : vector<16xf32>
          %get3A_1421 = arith.constant 464 : index
          %get3A_1422 = tpu.vector_load %arg7[%get3A_1421] {strides = array<i32>} : memref<512xf32, #tpu.memory_space<vmem>>, vector<16xf32>,
          %get3A_1423 = vector.shape_cast %get3A_1422 : vector<16xf32> to vector<16xf32>
          %sub3A_1424 = arith.subf %sub3A_1420, %get3A_1423 : vector<16xf32>
          %get3A_1425 = arith.index_cast %scan3A_477 : i32 to index
          %get3A_1426 = arith.constant 464 : index
          %get3A_1427 = tpu.vector_load %arg9[%get3A_1425, %get3A_1426] {strides = array<i32>} : memref<64x512xf32, #tpu.memory_space<vmem>>, vector<1x16xf32>,
          %get3A_1428 = vector.shape_cast %get3A_1427 : vector<1x16xf32> to vector<16xf32>
          %mul3A_1429 = arith.mulf %sub3A_1424, %get3A_1428 : vector<16xf32>
          %get3A_1430 = arith.constant 464 : index
          %get3A_1431 = tpu.vector_load %arg8[%get3A_1430] {strides = array<i32>} : memref<512xf32, #tpu.memory_space<vmem>>, vector<16xf32>,
          %get3A_1432 = vector.shape_cast %get3A_1431 : vector<16xf32> to vector<16xf32>
          %mul3A_1433 = arith.mulf %gather3A_519, %get3A_1432 : vector<16xf32>
          %add3A_1434 = arith.addf %mul3A_1429, %mul3A_1433 : vector<16xf32>
          %iota3A_1435 = tpu.iota {dimensions = array<i32: 0>} : vector<16xi32>
          %add3A_1436 = arith.constant 464 : i32
          %add3A_1437 = vector.broadcast %add3A_1436 : i32 to vector<16xi32>
          %add3A_1438 = arith.addi %iota3A_1435, %add3A_1437 : vector<16xi32>
          %eq3A_1439 = vector.broadcast %add3A_481 : i32 to vector<16xi32>
          %eq3A_1440 = arith.cmpi eq, %add3A_1438, %eq3A_1439 : vector<16xi32>
          %jit3A_1441 = arith.constant 0.000000e+00 : f32
          %broadcast_in_dim3A_1442 = vector.broadcast %jit3A_1441 : f32 to vector<16xf32>
          %select_n3A_1443 = arith.select %eq3A_1440, %broadcast_in_dim3A_1442, %add3A_1434 : vector<16xi1>, vector<16xf32>
          %swap3A_1444 = arith.index_cast %scan3A_477 : i32 to index
          %swap3A_1445 = arith.constant 464 : index
          %swap3A_1446 = tpu.vector_load %arg10[%swap3A_1444, %swap3A_1445] {strides = array<i32>} : memref<64x512xf32, #tpu.memory_space<vmem>>, vector<1x16xf32>,
          %swap3A_1447 = vector.shape_cast %swap3A_1446 : vector<1x16xf32> to vector<16xf32>
          %swap3A_1448 = vector.shape_cast %select_n3A_1443 : vector<16xf32> to vector<1x16xf32>
          tpu.vector_store %arg10[%swap3A_1444, %swap3A_1445], %swap3A_1448 {strides = array<i32>} : memref<64x512xf32, #tpu.memory_space<vmem>>, vector<1x16xf32>,
          %sub3A_1449 = arith.constant 1.000000e+00 : f32
          %sub3A_1450 = vector.broadcast %sub3A_1449 : f32 to vector<16xf32>
          %sub3A_1451 = arith.subf %sub3A_1450, %gather3A_519 : vector<16xf32>
          %get3A_1452 = arith.constant 480 : index
          %get3A_1453 = tpu.vector_load %arg7[%get3A_1452] {strides = array<i32>} : memref<512xf32, #tpu.memory_space<vmem>>, vector<16xf32>,
          %get3A_1454 = vector.shape_cast %get3A_1453 : vector<16xf32> to vector<16xf32>
          %sub3A_1455 = arith.subf %sub3A_1451, %get3A_1454 : vector<16xf32>
          %get3A_1456 = arith.index_cast %scan3A_477 : i32 to index
          %get3A_1457 = arith.constant 480 : index
          %get3A_1458 = tpu.vector_load %arg9[%get3A_1456, %get3A_1457] {strides = array<i32>} : memref<64x512xf32, #tpu.memory_space<vmem>>, vector<1x16xf32>,
          %get3A_1459 = vector.shape_cast %get3A_1458 : vector<1x16xf32> to vector<16xf32>
          %mul3A_1460 = arith.mulf %sub3A_1455, %get3A_1459 : vector<16xf32>
          %get3A_1461 = arith.constant 480 : index
          %get3A_1462 = tpu.vector_load %arg8[%get3A_1461] {strides = array<i32>} : memref<512xf32, #tpu.memory_space<vmem>>, vector<16xf32>,
          %get3A_1463 = vector.shape_cast %get3A_1462 : vector<16xf32> to vector<16xf32>
          %mul3A_1464 = arith.mulf %gather3A_519, %get3A_1463 : vector<16xf32>
          %add3A_1465 = arith.addf %mul3A_1460, %mul3A_1464 : vector<16xf32>
          %iota3A_1466 = tpu.iota {dimensions = array<i32: 0>} : vector<16xi32>
          %add3A_1467 = arith.constant 480 : i32
          %add3A_1468 = vector.broadcast %add3A_1467 : i32 to vector<16xi32>
          %add3A_1469 = arith.addi %iota3A_1466, %add3A_1468 : vector<16xi32>
          %eq3A_1470 = vector.broadcast %add3A_481 : i32 to vector<16xi32>
          %eq3A_1471 = arith.cmpi eq, %add3A_1469, %eq3A_1470 : vector<16xi32>
          %jit3A_1472 = arith.constant 0.000000e+00 : f32
          %broadcast_in_dim3A_1473 = vector.broadcast %jit3A_1472 : f32 to vector<16xf32>
          %select_n3A_1474 = arith.select %eq3A_1471, %broadcast_in_dim3A_1473, %add3A_1465 : vector<16xi1>, vector<16xf32>
          %swap3A_1475 = arith.index_cast %scan3A_477 : i32 to index
          %swap3A_1476 = arith.constant 480 : index
          %swap3A_1477 = tpu.vector_load %arg10[%swap3A_1475, %swap3A_1476] {strides = array<i32>} : memref<64x512xf32, #tpu.memory_space<vmem>>, vector<1x16xf32>,
          %swap3A_1478 = vector.shape_cast %swap3A_1477 : vector<1x16xf32> to vector<16xf32>
          %swap3A_1479 = vector.shape_cast %select_n3A_1474 : vector<16xf32> to vector<1x16xf32>
          tpu.vector_store %arg10[%swap3A_1475, %swap3A_1476], %swap3A_1479 {strides = array<i32>} : memref<64x512xf32, #tpu.memory_space<vmem>>, vector<1x16xf32>,
          %sub3A_1480 = arith.constant 1.000000e+00 : f32
          %sub3A_1481 = vector.broadcast %sub3A_1480 : f32 to vector<16xf32>
          %sub3A_1482 = arith.subf %sub3A_1481, %gather3A_519 : vector<16xf32>
          %get3A_1483 = arith.constant 496 : index
          %get3A_1484 = tpu.vector_load %arg7[%get3A_1483] {strides = array<i32>} : memref<512xf32, #tpu.memory_space<vmem>>, vector<16xf32>,
          %get3A_1485 = vector.shape_cast %get3A_1484 : vector<16xf32> to vector<16xf32>
          %sub3A_1486 = arith.subf %sub3A_1482, %get3A_1485 : vector<16xf32>
          %get3A_1487 = arith.index_cast %scan3A_477 : i32 to index
          %get3A_1488 = arith.constant 496 : index
          %get3A_1489 = tpu.vector_load %arg9[%get3A_1487, %get3A_1488] {strides = array<i32>} : memref<64x512xf32, #tpu.memory_space<vmem>>, vector<1x16xf32>,
          %get3A_1490 = vector.shape_cast %get3A_1489 : vector<1x16xf32> to vector<16xf32>
          %mul3A_1491 = arith.mulf %sub3A_1486, %get3A_1490 : vector<16xf32>
          %get3A_1492 = arith.constant 496 : index
          %get3A_1493 = tpu.vector_load %arg8[%get3A_1492] {strides = array<i32>} : memref<512xf32, #tpu.memory_space<vmem>>, vector<16xf32>,
          %get3A_1494 = vector.shape_cast %get3A_1493 : vector<16xf32> to vector<16xf32>
          %mul3A_1495 = arith.mulf %gather3A_519, %get3A_1494 : vector<16xf32>
          %add3A_1496 = arith.addf %mul3A_1491, %mul3A_1495 : vector<16xf32>
          %iota3A_1497 = tpu.iota {dimensions = array<i32: 0>} : vector<16xi32>
          %add3A_1498 = arith.constant 496 : i32
          %add3A_1499 = vector.broadcast %add3A_1498 : i32 to vector<16xi32>
          %add3A_1500 = arith.addi %iota3A_1497, %add3A_1499 : vector<16xi32>
          %eq3A_1501 = vector.broadcast %add3A_481 : i32 to vector<16xi32>
          %eq3A_1502 = arith.cmpi eq, %add3A_1500, %eq3A_1501 : vector<16xi32>
          %jit3A_1503 = arith.constant 0.000000e+00 : f32
          %broadcast_in_dim3A_1504 = vector.broadcast %jit3A_1503 : f32 to vector<16xf32>
          %select_n3A_1505 = arith.select %eq3A_1502, %broadcast_in_dim3A_1504, %add3A_1496 : vector<16xi1>, vector<16xf32>
          %swap3A_1506 = arith.index_cast %scan3A_477 : i32 to index
          %swap3A_1507 = arith.constant 496 : index
          %swap3A_1508 = tpu.vector_load %arg10[%swap3A_1506, %swap3A_1507] {strides = array<i32>} : memref<64x512xf32, #tpu.memory_space<vmem>>, vector<1x16xf32>,
          %swap3A_1509 = vector.shape_cast %swap3A_1508 : vector<1x16xf32> to vector<16xf32>
          %swap3A_1510 = vector.shape_cast %select_n3A_1505 : vector<16xf32> to vector<1x16xf32>
          tpu.vector_store %arg10[%swap3A_1506, %swap3A_1507], %swap3A_1510 {strides = array<i32>} : memref<64x512xf32, #tpu.memory_space<vmem>>, vector<1x16xf32>,
          %scan3A_1511 = arith.constant 0 : i32
          scf.yield %scan3A_1511 : i32
        }
        %scan3A_473 = arith.constant 64 : i32
        %mul3A_474 = arith.constant 64 : i32
        %mul3A_475 = arith.muli %scan3A_463, %mul3A_474 : i32
        "tpu.region"() ({
          %run_scoped3A = tpu.sem_alloc : memref<!tpu.dma_semaphore, #tpu.memory_space<semaphore_mem>>
          %dma_start3A = arith.constant 0 : i32
          %dma_start3A_477 = tpu.memref_slice %arg5[%add3A_11, %mul3A_475, %dma_start3A] : memref<256x512x512xf32, #tpu.memory_space<hbm>> -> memref<1x64x512xf32, #tpu.memory_space<hbm>>
          %dma_start3A_478 = tpu.memref_squeeze %dma_start3A_477 : memref<1x64x512xf32, #tpu.memory_space<hbm>> -> memref<64x512xf32, #tpu.memory_space<hbm>>
          %dma_start3A_479 = arith.constant 0 : i32
          %dma_start3A_480 = tpu.memref_slice %arg5[%add3A_11, %mul3A_475, %dma_start3A_479] : memref<256x512x512xf32, #tpu.memory_space<hbm>> -> memref<1x64x512xf32, #tpu.memory_space<hbm>>
          %dma_start3A_481 = tpu.memref_squeeze %dma_start3A_480 : memref<1x64x512xf32, #tpu.memory_space<hbm>> -> memref<64x512xf32, #tpu.memory_space<hbm>>
          tpu.enqueue_dma source(%arg10 : memref<64x512xf32, #tpu.memory_space<vmem>>) target(%dma_start3A_481 : memref<64x512xf32, #tpu.memory_space<hbm>>) target_semaphore(%run_scoped3A : memref<!tpu.dma_semaphore, #tpu.memory_space<semaphore_mem>>)
          %dma_wait3A = arith.constant 0 : i32
          %dma_wait3A_482 = tpu.memref_slice %arg5[%add3A_11, %mul3A_475, %dma_wait3A] : memref<256x512x512xf32, #tpu.memory_space<hbm>> -> memref<1x64x512xf32, #tpu.memory_space<hbm>>
          %dma_wait3A_483 = tpu.memref_squeeze %dma_wait3A_482 : memref<1x64x512xf32, #tpu.memory_space<hbm>> -> memref<64x512xf32, #tpu.memory_space<hbm>>
          %dma_wait3A_484 = arith.constant 0 : i32
          %dma_wait3A_485 = tpu.memref_slice %arg5[%add3A_11, %mul3A_475, %dma_wait3A_484] : memref<256x512x512xf32, #tpu.memory_space<hbm>> -> memref<1x64x512xf32, #tpu.memory_space<hbm>>
          %dma_wait3A_486 = tpu.memref_squeeze %dma_wait3A_485 : memref<1x64x512xf32, #tpu.memory_space<hbm>> -> memref<64x512xf32, #tpu.memory_space<hbm>>
          tpu.wait_dma2 semaphore(%run_scoped3A : memref<!tpu.dma_semaphore, #tpu.memory_space<semaphore_mem>>) src(%arg10 : memref<64x512xf32, #tpu.memory_space<vmem>>) dst(%dma_wait3A_486 : memref<64x512xf32, #tpu.memory_space<hbm>>)
          tpu.yield
        }) : () -> ()
        %scan3A_476 = arith.constant 0 : i32
        scf.yield %scan3A_476 : i32
      }
      %scan3A_18 = arith.constant 8 : i32
      %broadcast_in_dim3A = arith.constant 0.000000e+00 : f32
      %broadcast_in_dim3A_19 = vector.broadcast %broadcast_in_dim3A : f32 to vector<16xf32>
      %scan3A_20 = arith.constant 0 : i32
      %scan3A_21 = arith.constant 32 : i32
      %scan3A_22 = arith.addi %scan3A_20, %scan3A_21 : i32
      %scan3A_23 = arith.constant 1 : i32
      %scan3A_24 = scf.for %scan3A_463 = %scan3A_20 to %scan3A_22 step %scan3A_23 iter_args(%scan3A_464 = %broadcast_in_dim3A_19) -> (vector<16xf32>)  : i32 {
        %mul3A_465 = arith.constant 16 : i32
        %mul3A_466 = arith.muli %scan3A_463, %mul3A_465 : i32
        %get3A_467 = arith.index_cast %mul3A_466 : i32 to index
        %get3A_468 = tpu.vector_load %arg7[%get3A_467] {strides = array<i32>} : memref<512xf32, #tpu.memory_space<vmem>>, vector<16xf32>,
        %get3A_469 = vector.shape_cast %get3A_468 : vector<16xf32> to vector<16xf32>
        %add3A_470 = arith.addf %scan3A_464, %get3A_469 : vector<16xf32>
        scf.yield %add3A_470 : vector<16xf32>
      }
      %scan3A_25 = arith.constant 32 : i32
      %iota3A = tpu.iota {dimensions = array<i32: 0>} : vector<16xi32>
      %xor3A = arith.constant 8 : i32
      %xor3A_26 = vector.broadcast %xor3A : i32 to vector<16xi32>
      %xor3A_27 = arith.xori %iota3A, %xor3A_26 : vector<16xi32>
      %lt3A = arith.constant 0 : i32
      %lt3A_28 = vector.broadcast %lt3A : i32 to vector<16xi32>
      %lt3A_29 = arith.cmpi slt, %xor3A_27, %lt3A_28 : vector<16xi32>
      %add3A_30 = arith.constant 16 : i32
      %add3A_31 = vector.broadcast %add3A_30 : i32 to vector<16xi32>
      %add3A_32 = arith.addi %xor3A_27, %add3A_31 : vector<16xi32>
      %select_n3A = arith.select %lt3A_29, %add3A_32, %xor3A_27 : vector<16xi1>, vector<16xi32>
      %broadcast_in_dim3A_33 = vector.shape_cast %select_n3A : vector<16xi32> to vector<16x1xi32>
      %gather3A = vector.shape_cast %broadcast_in_dim3A_33 : vector<16x1xi32> to vector<16xi32>
      %gather3A_34 = tpu.dynamic_gather %scan3A_24[%gather3A] in [0] : vector<16xf32>, vector<16xi32> -> vector<16xf32>
      %add3A_35 = arith.addf %scan3A_24, %gather3A_34 : vector<16xf32>
      %xor3A_36 = arith.constant 4 : i32
      %xor3A_37 = vector.broadcast %xor3A_36 : i32 to vector<16xi32>
      %xor3A_38 = arith.xori %iota3A, %xor3A_37 : vector<16xi32>
      %lt3A_39 = arith.constant 0 : i32
      %lt3A_40 = vector.broadcast %lt3A_39 : i32 to vector<16xi32>
      %lt3A_41 = arith.cmpi slt, %xor3A_38, %lt3A_40 : vector<16xi32>
      %add3A_42 = arith.constant 16 : i32
      %add3A_43 = vector.broadcast %add3A_42 : i32 to vector<16xi32>
      %add3A_44 = arith.addi %xor3A_38, %add3A_43 : vector<16xi32>
      %select_n3A_45 = arith.select %lt3A_41, %add3A_44, %xor3A_38 : vector<16xi1>, vector<16xi32>
      %broadcast_in_dim3A_46 = vector.shape_cast %select_n3A_45 : vector<16xi32> to vector<16x1xi32>
      %gather3A_47 = vector.shape_cast %broadcast_in_dim3A_46 : vector<16x1xi32> to vector<16xi32>
      %gather3A_48 = tpu.dynamic_gather %add3A_35[%gather3A_47] in [0] : vector<16xf32>, vector<16xi32> -> vector<16xf32>
      %add3A_49 = arith.addf %add3A_35, %gather3A_48 : vector<16xf32>
      %xor3A_50 = arith.constant 2 : i32
      %xor3A_51 = vector.broadcast %xor3A_50 : i32 to vector<16xi32>
      %xor3A_52 = arith.xori %iota3A, %xor3A_51 : vector<16xi32>
      %lt3A_53 = arith.constant 0 : i32
      %lt3A_54 = vector.broadcast %lt3A_53 : i32 to vector<16xi32>
      %lt3A_55 = arith.cmpi slt, %xor3A_52, %lt3A_54 : vector<16xi32>
      %add3A_56 = arith.constant 16 : i32
      %add3A_57 = vector.broadcast %add3A_56 : i32 to vector<16xi32>
      %add3A_58 = arith.addi %xor3A_52, %add3A_57 : vector<16xi32>
      %select_n3A_59 = arith.select %lt3A_55, %add3A_58, %xor3A_52 : vector<16xi1>, vector<16xi32>
      %broadcast_in_dim3A_60 = vector.shape_cast %select_n3A_59 : vector<16xi32> to vector<16x1xi32>
      %gather3A_61 = vector.shape_cast %broadcast_in_dim3A_60 : vector<16x1xi32> to vector<16xi32>
      %gather3A_62 = tpu.dynamic_gather %add3A_49[%gather3A_61] in [0] : vector<16xf32>, vector<16xi32> -> vector<16xf32>
      %add3A_63 = arith.addf %add3A_49, %gather3A_62 : vector<16xf32>
      %xor3A_64 = arith.constant 1 : i32
      %xor3A_65 = vector.broadcast %xor3A_64 : i32 to vector<16xi32>
      %xor3A_66 = arith.xori %iota3A, %xor3A_65 : vector<16xi32>
      %lt3A_67 = arith.constant 0 : i32
      %lt3A_68 = vector.broadcast %lt3A_67 : i32 to vector<16xi32>
      %lt3A_69 = arith.cmpi slt, %xor3A_66, %lt3A_68 : vector<16xi32>
      %add3A_70 = arith.constant 16 : i32
      %add3A_71 = vector.broadcast %add3A_70 : i32 to vector<16xi32>
      %add3A_72 = arith.addi %xor3A_66, %add3A_71 : vector<16xi32>
      %select_n3A_73 = arith.select %lt3A_69, %add3A_72, %xor3A_66 : vector<16xi1>, vector<16xi32>
      %broadcast_in_dim3A_74 = vector.shape_cast %select_n3A_73 : vector<16xi32> to vector<16x1xi32>
      %gather3A_75 = vector.shape_cast %broadcast_in_dim3A_74 : vector<16x1xi32> to vector<16xi32>
      %gather3A_76 = tpu.dynamic_gather %add3A_63[%gather3A_75] in [0] : vector<16xf32>, vector<16xi32> -> vector<16xf32>
      %add3A_77 = arith.addf %add3A_63, %gather3A_76 : vector<16xf32>
      %sub3A = arith.constant 1.000000e+00 : f32
      %sub3A_78 = vector.broadcast %sub3A : f32 to vector<16xf32>
      %sub3A_79 = arith.subf %sub3A_78, %add3A_77 : vector<16xf32>
      %get3A = arith.constant 0 : index
      %get3A_80 = tpu.vector_load %arg8[%get3A] {strides = array<i32>} : memref<512xf32, #tpu.memory_space<vmem>>, vector<16xf32>,
      %get3A_81 = vector.shape_cast %get3A_80 : vector<16xf32> to vector<16xf32>
      %mul3A_82 = arith.mulf %sub3A_79, %get3A_81 : vector<16xf32>
      %get3A_83 = arith.constant 0 : index
      %get3A_84 = tpu.vector_load %arg7[%get3A_83] {strides = array<i32>} : memref<512xf32, #tpu.memory_space<vmem>>, vector<16xf32>,
      %get3A_85 = vector.shape_cast %get3A_84 : vector<16xf32> to vector<16xf32>
      %add3A_86 = arith.addf %mul3A_82, %get3A_85 : vector<16xf32>
      %swap3A = arith.constant 0 : index
      %swap3A_87 = tpu.vector_load %arg11[%swap3A] {strides = array<i32>} : memref<512xf32, #tpu.memory_space<vmem>>, vector<16xf32>,
      %swap3A_88 = vector.shape_cast %swap3A_87 : vector<16xf32> to vector<16xf32>
      %swap3A_89 = vector.shape_cast %add3A_86 : vector<16xf32> to vector<16xf32>
      tpu.vector_store %arg11[%swap3A], %swap3A_89 {strides = array<i32>} : memref<512xf32, #tpu.memory_space<vmem>>, vector<16xf32>,
      %get3A_90 = arith.constant 16 : index
      %get3A_91 = tpu.vector_load %arg8[%get3A_90] {strides = array<i32>} : memref<512xf32, #tpu.memory_space<vmem>>, vector<16xf32>,
      %get3A_92 = vector.shape_cast %get3A_91 : vector<16xf32> to vector<16xf32>
      %mul3A_93 = arith.mulf %sub3A_79, %get3A_92 : vector<16xf32>
      %get3A_94 = arith.constant 16 : index
      %get3A_95 = tpu.vector_load %arg7[%get3A_94] {strides = array<i32>} : memref<512xf32, #tpu.memory_space<vmem>>, vector<16xf32>,
      %get3A_96 = vector.shape_cast %get3A_95 : vector<16xf32> to vector<16xf32>
      %add3A_97 = arith.addf %mul3A_93, %get3A_96 : vector<16xf32>
      %swap3A_98 = arith.constant 16 : index
      %swap3A_99 = tpu.vector_load %arg11[%swap3A_98] {strides = array<i32>} : memref<512xf32, #tpu.memory_space<vmem>>, vector<16xf32>,
      %swap3A_100 = vector.shape_cast %swap3A_99 : vector<16xf32> to vector<16xf32>
      %swap3A_101 = vector.shape_cast %add3A_97 : vector<16xf32> to vector<16xf32>
      tpu.vector_store %arg11[%swap3A_98], %swap3A_101 {strides = array<i32>} : memref<512xf32, #tpu.memory_space<vmem>>, vector<16xf32>,
      %get3A_102 = arith.constant 32 : index
      %get3A_103 = tpu.vector_load %arg8[%get3A_102] {strides = array<i32>} : memref<512xf32, #tpu.memory_space<vmem>>, vector<16xf32>,
      %get3A_104 = vector.shape_cast %get3A_103 : vector<16xf32> to vector<16xf32>
      %mul3A_105 = arith.mulf %sub3A_79, %get3A_104 : vector<16xf32>
      %get3A_106 = arith.constant 32 : index
      %get3A_107 = tpu.vector_load %arg7[%get3A_106] {strides = array<i32>} : memref<512xf32, #tpu.memory_space<vmem>>, vector<16xf32>,
      %get3A_108 = vector.shape_cast %get3A_107 : vector<16xf32> to vector<16xf32>
      %add3A_109 = arith.addf %mul3A_105, %get3A_108 : vector<16xf32>
      %swap3A_110 = arith.constant 32 : index
      %swap3A_111 = tpu.vector_load %arg11[%swap3A_110] {strides = array<i32>} : memref<512xf32, #tpu.memory_space<vmem>>, vector<16xf32>,
      %swap3A_112 = vector.shape_cast %swap3A_111 : vector<16xf32> to vector<16xf32>
      %swap3A_113 = vector.shape_cast %add3A_109 : vector<16xf32> to vector<16xf32>
      tpu.vector_store %arg11[%swap3A_110], %swap3A_113 {strides = array<i32>} : memref<512xf32, #tpu.memory_space<vmem>>, vector<16xf32>,
      %get3A_114 = arith.constant 48 : index
      %get3A_115 = tpu.vector_load %arg8[%get3A_114] {strides = array<i32>} : memref<512xf32, #tpu.memory_space<vmem>>, vector<16xf32>,
      %get3A_116 = vector.shape_cast %get3A_115 : vector<16xf32> to vector<16xf32>
      %mul3A_117 = arith.mulf %sub3A_79, %get3A_116 : vector<16xf32>
      %get3A_118 = arith.constant 48 : index
      %get3A_119 = tpu.vector_load %arg7[%get3A_118] {strides = array<i32>} : memref<512xf32, #tpu.memory_space<vmem>>, vector<16xf32>,
      %get3A_120 = vector.shape_cast %get3A_119 : vector<16xf32> to vector<16xf32>
      %add3A_121 = arith.addf %mul3A_117, %get3A_120 : vector<16xf32>
      %swap3A_122 = arith.constant 48 : index
      %swap3A_123 = tpu.vector_load %arg11[%swap3A_122] {strides = array<i32>} : memref<512xf32, #tpu.memory_space<vmem>>, vector<16xf32>,
      %swap3A_124 = vector.shape_cast %swap3A_123 : vector<16xf32> to vector<16xf32>
      %swap3A_125 = vector.shape_cast %add3A_121 : vector<16xf32> to vector<16xf32>
      tpu.vector_store %arg11[%swap3A_122], %swap3A_125 {strides = array<i32>} : memref<512xf32, #tpu.memory_space<vmem>>, vector<16xf32>,
      %get3A_126 = arith.constant 64 : index
      %get3A_127 = tpu.vector_load %arg8[%get3A_126] {strides = array<i32>} : memref<512xf32, #tpu.memory_space<vmem>>, vector<16xf32>,
      %get3A_128 = vector.shape_cast %get3A_127 : vector<16xf32> to vector<16xf32>
      %mul3A_129 = arith.mulf %sub3A_79, %get3A_128 : vector<16xf32>
      %get3A_130 = arith.constant 64 : index
      %get3A_131 = tpu.vector_load %arg7[%get3A_130] {strides = array<i32>} : memref<512xf32, #tpu.memory_space<vmem>>, vector<16xf32>,
      %get3A_132 = vector.shape_cast %get3A_131 : vector<16xf32> to vector<16xf32>
      %add3A_133 = arith.addf %mul3A_129, %get3A_132 : vector<16xf32>
      %swap3A_134 = arith.constant 64 : index
      %swap3A_135 = tpu.vector_load %arg11[%swap3A_134] {strides = array<i32>} : memref<512xf32, #tpu.memory_space<vmem>>, vector<16xf32>,
      %swap3A_136 = vector.shape_cast %swap3A_135 : vector<16xf32> to vector<16xf32>
      %swap3A_137 = vector.shape_cast %add3A_133 : vector<16xf32> to vector<16xf32>
      tpu.vector_store %arg11[%swap3A_134], %swap3A_137 {strides = array<i32>} : memref<512xf32, #tpu.memory_space<vmem>>, vector<16xf32>,
      %get3A_138 = arith.constant 80 : index
      %get3A_139 = tpu.vector_load %arg8[%get3A_138] {strides = array<i32>} : memref<512xf32, #tpu.memory_space<vmem>>, vector<16xf32>,
      %get3A_140 = vector.shape_cast %get3A_139 : vector<16xf32> to vector<16xf32>
      %mul3A_141 = arith.mulf %sub3A_79, %get3A_140 : vector<16xf32>
      %get3A_142 = arith.constant 80 : index
      %get3A_143 = tpu.vector_load %arg7[%get3A_142] {strides = array<i32>} : memref<512xf32, #tpu.memory_space<vmem>>, vector<16xf32>,
      %get3A_144 = vector.shape_cast %get3A_143 : vector<16xf32> to vector<16xf32>
      %add3A_145 = arith.addf %mul3A_141, %get3A_144 : vector<16xf32>
      %swap3A_146 = arith.constant 80 : index
      %swap3A_147 = tpu.vector_load %arg11[%swap3A_146] {strides = array<i32>} : memref<512xf32, #tpu.memory_space<vmem>>, vector<16xf32>,
      %swap3A_148 = vector.shape_cast %swap3A_147 : vector<16xf32> to vector<16xf32>
      %swap3A_149 = vector.shape_cast %add3A_145 : vector<16xf32> to vector<16xf32>
      tpu.vector_store %arg11[%swap3A_146], %swap3A_149 {strides = array<i32>} : memref<512xf32, #tpu.memory_space<vmem>>, vector<16xf32>,
      %get3A_150 = arith.constant 96 : index
      %get3A_151 = tpu.vector_load %arg8[%get3A_150] {strides = array<i32>} : memref<512xf32, #tpu.memory_space<vmem>>, vector<16xf32>,
      %get3A_152 = vector.shape_cast %get3A_151 : vector<16xf32> to vector<16xf32>
      %mul3A_153 = arith.mulf %sub3A_79, %get3A_152 : vector<16xf32>
      %get3A_154 = arith.constant 96 : index
      %get3A_155 = tpu.vector_load %arg7[%get3A_154] {strides = array<i32>} : memref<512xf32, #tpu.memory_space<vmem>>, vector<16xf32>,
      %get3A_156 = vector.shape_cast %get3A_155 : vector<16xf32> to vector<16xf32>
      %add3A_157 = arith.addf %mul3A_153, %get3A_156 : vector<16xf32>
      %swap3A_158 = arith.constant 96 : index
      %swap3A_159 = tpu.vector_load %arg11[%swap3A_158] {strides = array<i32>} : memref<512xf32, #tpu.memory_space<vmem>>, vector<16xf32>,
      %swap3A_160 = vector.shape_cast %swap3A_159 : vector<16xf32> to vector<16xf32>
      %swap3A_161 = vector.shape_cast %add3A_157 : vector<16xf32> to vector<16xf32>
      tpu.vector_store %arg11[%swap3A_158], %swap3A_161 {strides = array<i32>} : memref<512xf32, #tpu.memory_space<vmem>>, vector<16xf32>,
      %get3A_162 = arith.constant 112 : index
      %get3A_163 = tpu.vector_load %arg8[%get3A_162] {strides = array<i32>} : memref<512xf32, #tpu.memory_space<vmem>>, vector<16xf32>,
      %get3A_164 = vector.shape_cast %get3A_163 : vector<16xf32> to vector<16xf32>
      %mul3A_165 = arith.mulf %sub3A_79, %get3A_164 : vector<16xf32>
      %get3A_166 = arith.constant 112 : index
      %get3A_167 = tpu.vector_load %arg7[%get3A_166] {strides = array<i32>} : memref<512xf32, #tpu.memory_space<vmem>>, vector<16xf32>,
      %get3A_168 = vector.shape_cast %get3A_167 : vector<16xf32> to vector<16xf32>
      %add3A_169 = arith.addf %mul3A_165, %get3A_168 : vector<16xf32>
      %swap3A_170 = arith.constant 112 : index
      %swap3A_171 = tpu.vector_load %arg11[%swap3A_170] {strides = array<i32>} : memref<512xf32, #tpu.memory_space<vmem>>, vector<16xf32>,
      %swap3A_172 = vector.shape_cast %swap3A_171 : vector<16xf32> to vector<16xf32>
      %swap3A_173 = vector.shape_cast %add3A_169 : vector<16xf32> to vector<16xf32>
      tpu.vector_store %arg11[%swap3A_170], %swap3A_173 {strides = array<i32>} : memref<512xf32, #tpu.memory_space<vmem>>, vector<16xf32>,
      %get3A_174 = arith.constant 128 : index
      %get3A_175 = tpu.vector_load %arg8[%get3A_174] {strides = array<i32>} : memref<512xf32, #tpu.memory_space<vmem>>, vector<16xf32>,
      %get3A_176 = vector.shape_cast %get3A_175 : vector<16xf32> to vector<16xf32>
      %mul3A_177 = arith.mulf %sub3A_79, %get3A_176 : vector<16xf32>
      %get3A_178 = arith.constant 128 : index
      %get3A_179 = tpu.vector_load %arg7[%get3A_178] {strides = array<i32>} : memref<512xf32, #tpu.memory_space<vmem>>, vector<16xf32>,
      %get3A_180 = vector.shape_cast %get3A_179 : vector<16xf32> to vector<16xf32>
      %add3A_181 = arith.addf %mul3A_177, %get3A_180 : vector<16xf32>
      %swap3A_182 = arith.constant 128 : index
      %swap3A_183 = tpu.vector_load %arg11[%swap3A_182] {strides = array<i32>} : memref<512xf32, #tpu.memory_space<vmem>>, vector<16xf32>,
      %swap3A_184 = vector.shape_cast %swap3A_183 : vector<16xf32> to vector<16xf32>
      %swap3A_185 = vector.shape_cast %add3A_181 : vector<16xf32> to vector<16xf32>
      tpu.vector_store %arg11[%swap3A_182], %swap3A_185 {strides = array<i32>} : memref<512xf32, #tpu.memory_space<vmem>>, vector<16xf32>,
      %get3A_186 = arith.constant 144 : index
      %get3A_187 = tpu.vector_load %arg8[%get3A_186] {strides = array<i32>} : memref<512xf32, #tpu.memory_space<vmem>>, vector<16xf32>,
      %get3A_188 = vector.shape_cast %get3A_187 : vector<16xf32> to vector<16xf32>
      %mul3A_189 = arith.mulf %sub3A_79, %get3A_188 : vector<16xf32>
      %get3A_190 = arith.constant 144 : index
      %get3A_191 = tpu.vector_load %arg7[%get3A_190] {strides = array<i32>} : memref<512xf32, #tpu.memory_space<vmem>>, vector<16xf32>,
      %get3A_192 = vector.shape_cast %get3A_191 : vector<16xf32> to vector<16xf32>
      %add3A_193 = arith.addf %mul3A_189, %get3A_192 : vector<16xf32>
      %swap3A_194 = arith.constant 144 : index
      %swap3A_195 = tpu.vector_load %arg11[%swap3A_194] {strides = array<i32>} : memref<512xf32, #tpu.memory_space<vmem>>, vector<16xf32>,
      %swap3A_196 = vector.shape_cast %swap3A_195 : vector<16xf32> to vector<16xf32>
      %swap3A_197 = vector.shape_cast %add3A_193 : vector<16xf32> to vector<16xf32>
      tpu.vector_store %arg11[%swap3A_194], %swap3A_197 {strides = array<i32>} : memref<512xf32, #tpu.memory_space<vmem>>, vector<16xf32>,
      %get3A_198 = arith.constant 160 : index
      %get3A_199 = tpu.vector_load %arg8[%get3A_198] {strides = array<i32>} : memref<512xf32, #tpu.memory_space<vmem>>, vector<16xf32>,
      %get3A_200 = vector.shape_cast %get3A_199 : vector<16xf32> to vector<16xf32>
      %mul3A_201 = arith.mulf %sub3A_79, %get3A_200 : vector<16xf32>
      %get3A_202 = arith.constant 160 : index
      %get3A_203 = tpu.vector_load %arg7[%get3A_202] {strides = array<i32>} : memref<512xf32, #tpu.memory_space<vmem>>, vector<16xf32>,
      %get3A_204 = vector.shape_cast %get3A_203 : vector<16xf32> to vector<16xf32>
      %add3A_205 = arith.addf %mul3A_201, %get3A_204 : vector<16xf32>
      %swap3A_206 = arith.constant 160 : index
      %swap3A_207 = tpu.vector_load %arg11[%swap3A_206] {strides = array<i32>} : memref<512xf32, #tpu.memory_space<vmem>>, vector<16xf32>,
      %swap3A_208 = vector.shape_cast %swap3A_207 : vector<16xf32> to vector<16xf32>
      %swap3A_209 = vector.shape_cast %add3A_205 : vector<16xf32> to vector<16xf32>
      tpu.vector_store %arg11[%swap3A_206], %swap3A_209 {strides = array<i32>} : memref<512xf32, #tpu.memory_space<vmem>>, vector<16xf32>,
      %get3A_210 = arith.constant 176 : index
      %get3A_211 = tpu.vector_load %arg8[%get3A_210] {strides = array<i32>} : memref<512xf32, #tpu.memory_space<vmem>>, vector<16xf32>,
      %get3A_212 = vector.shape_cast %get3A_211 : vector<16xf32> to vector<16xf32>
      %mul3A_213 = arith.mulf %sub3A_79, %get3A_212 : vector<16xf32>
      %get3A_214 = arith.constant 176 : index
      %get3A_215 = tpu.vector_load %arg7[%get3A_214] {strides = array<i32>} : memref<512xf32, #tpu.memory_space<vmem>>, vector<16xf32>,
      %get3A_216 = vector.shape_cast %get3A_215 : vector<16xf32> to vector<16xf32>
      %add3A_217 = arith.addf %mul3A_213, %get3A_216 : vector<16xf32>
      %swap3A_218 = arith.constant 176 : index
      %swap3A_219 = tpu.vector_load %arg11[%swap3A_218] {strides = array<i32>} : memref<512xf32, #tpu.memory_space<vmem>>, vector<16xf32>,
      %swap3A_220 = vector.shape_cast %swap3A_219 : vector<16xf32> to vector<16xf32>
      %swap3A_221 = vector.shape_cast %add3A_217 : vector<16xf32> to vector<16xf32>
      tpu.vector_store %arg11[%swap3A_218], %swap3A_221 {strides = array<i32>} : memref<512xf32, #tpu.memory_space<vmem>>, vector<16xf32>,
      %get3A_222 = arith.constant 192 : index
      %get3A_223 = tpu.vector_load %arg8[%get3A_222] {strides = array<i32>} : memref<512xf32, #tpu.memory_space<vmem>>, vector<16xf32>,
      %get3A_224 = vector.shape_cast %get3A_223 : vector<16xf32> to vector<16xf32>
      %mul3A_225 = arith.mulf %sub3A_79, %get3A_224 : vector<16xf32>
      %get3A_226 = arith.constant 192 : index
      %get3A_227 = tpu.vector_load %arg7[%get3A_226] {strides = array<i32>} : memref<512xf32, #tpu.memory_space<vmem>>, vector<16xf32>,
      %get3A_228 = vector.shape_cast %get3A_227 : vector<16xf32> to vector<16xf32>
      %add3A_229 = arith.addf %mul3A_225, %get3A_228 : vector<16xf32>
      %swap3A_230 = arith.constant 192 : index
      %swap3A_231 = tpu.vector_load %arg11[%swap3A_230] {strides = array<i32>} : memref<512xf32, #tpu.memory_space<vmem>>, vector<16xf32>,
      %swap3A_232 = vector.shape_cast %swap3A_231 : vector<16xf32> to vector<16xf32>
      %swap3A_233 = vector.shape_cast %add3A_229 : vector<16xf32> to vector<16xf32>
      tpu.vector_store %arg11[%swap3A_230], %swap3A_233 {strides = array<i32>} : memref<512xf32, #tpu.memory_space<vmem>>, vector<16xf32>,
      %get3A_234 = arith.constant 208 : index
      %get3A_235 = tpu.vector_load %arg8[%get3A_234] {strides = array<i32>} : memref<512xf32, #tpu.memory_space<vmem>>, vector<16xf32>,
      %get3A_236 = vector.shape_cast %get3A_235 : vector<16xf32> to vector<16xf32>
      %mul3A_237 = arith.mulf %sub3A_79, %get3A_236 : vector<16xf32>
      %get3A_238 = arith.constant 208 : index
      %get3A_239 = tpu.vector_load %arg7[%get3A_238] {strides = array<i32>} : memref<512xf32, #tpu.memory_space<vmem>>, vector<16xf32>,
      %get3A_240 = vector.shape_cast %get3A_239 : vector<16xf32> to vector<16xf32>
      %add3A_241 = arith.addf %mul3A_237, %get3A_240 : vector<16xf32>
      %swap3A_242 = arith.constant 208 : index
      %swap3A_243 = tpu.vector_load %arg11[%swap3A_242] {strides = array<i32>} : memref<512xf32, #tpu.memory_space<vmem>>, vector<16xf32>,
      %swap3A_244 = vector.shape_cast %swap3A_243 : vector<16xf32> to vector<16xf32>
      %swap3A_245 = vector.shape_cast %add3A_241 : vector<16xf32> to vector<16xf32>
      tpu.vector_store %arg11[%swap3A_242], %swap3A_245 {strides = array<i32>} : memref<512xf32, #tpu.memory_space<vmem>>, vector<16xf32>,
      %get3A_246 = arith.constant 224 : index
      %get3A_247 = tpu.vector_load %arg8[%get3A_246] {strides = array<i32>} : memref<512xf32, #tpu.memory_space<vmem>>, vector<16xf32>,
      %get3A_248 = vector.shape_cast %get3A_247 : vector<16xf32> to vector<16xf32>
      %mul3A_249 = arith.mulf %sub3A_79, %get3A_248 : vector<16xf32>
      %get3A_250 = arith.constant 224 : index
      %get3A_251 = tpu.vector_load %arg7[%get3A_250] {strides = array<i32>} : memref<512xf32, #tpu.memory_space<vmem>>, vector<16xf32>,
      %get3A_252 = vector.shape_cast %get3A_251 : vector<16xf32> to vector<16xf32>
      %add3A_253 = arith.addf %mul3A_249, %get3A_252 : vector<16xf32>
      %swap3A_254 = arith.constant 224 : index
      %swap3A_255 = tpu.vector_load %arg11[%swap3A_254] {strides = array<i32>} : memref<512xf32, #tpu.memory_space<vmem>>, vector<16xf32>,
      %swap3A_256 = vector.shape_cast %swap3A_255 : vector<16xf32> to vector<16xf32>
      %swap3A_257 = vector.shape_cast %add3A_253 : vector<16xf32> to vector<16xf32>
      tpu.vector_store %arg11[%swap3A_254], %swap3A_257 {strides = array<i32>} : memref<512xf32, #tpu.memory_space<vmem>>, vector<16xf32>,
      %get3A_258 = arith.constant 240 : index
      %get3A_259 = tpu.vector_load %arg8[%get3A_258] {strides = array<i32>} : memref<512xf32, #tpu.memory_space<vmem>>, vector<16xf32>,
      %get3A_260 = vector.shape_cast %get3A_259 : vector<16xf32> to vector<16xf32>
      %mul3A_261 = arith.mulf %sub3A_79, %get3A_260 : vector<16xf32>
      %get3A_262 = arith.constant 240 : index
      %get3A_263 = tpu.vector_load %arg7[%get3A_262] {strides = array<i32>} : memref<512xf32, #tpu.memory_space<vmem>>, vector<16xf32>,
      %get3A_264 = vector.shape_cast %get3A_263 : vector<16xf32> to vector<16xf32>
      %add3A_265 = arith.addf %mul3A_261, %get3A_264 : vector<16xf32>
      %swap3A_266 = arith.constant 240 : index
      %swap3A_267 = tpu.vector_load %arg11[%swap3A_266] {strides = array<i32>} : memref<512xf32, #tpu.memory_space<vmem>>, vector<16xf32>,
      %swap3A_268 = vector.shape_cast %swap3A_267 : vector<16xf32> to vector<16xf32>
      %swap3A_269 = vector.shape_cast %add3A_265 : vector<16xf32> to vector<16xf32>
      tpu.vector_store %arg11[%swap3A_266], %swap3A_269 {strides = array<i32>} : memref<512xf32, #tpu.memory_space<vmem>>, vector<16xf32>,
      %get3A_270 = arith.constant 256 : index
      %get3A_271 = tpu.vector_load %arg8[%get3A_270] {strides = array<i32>} : memref<512xf32, #tpu.memory_space<vmem>>, vector<16xf32>,
      %get3A_272 = vector.shape_cast %get3A_271 : vector<16xf32> to vector<16xf32>
      %mul3A_273 = arith.mulf %sub3A_79, %get3A_272 : vector<16xf32>
      %get3A_274 = arith.constant 256 : index
      %get3A_275 = tpu.vector_load %arg7[%get3A_274] {strides = array<i32>} : memref<512xf32, #tpu.memory_space<vmem>>, vector<16xf32>,
      %get3A_276 = vector.shape_cast %get3A_275 : vector<16xf32> to vector<16xf32>
      %add3A_277 = arith.addf %mul3A_273, %get3A_276 : vector<16xf32>
      %swap3A_278 = arith.constant 256 : index
      %swap3A_279 = tpu.vector_load %arg11[%swap3A_278] {strides = array<i32>} : memref<512xf32, #tpu.memory_space<vmem>>, vector<16xf32>,
      %swap3A_280 = vector.shape_cast %swap3A_279 : vector<16xf32> to vector<16xf32>
      %swap3A_281 = vector.shape_cast %add3A_277 : vector<16xf32> to vector<16xf32>
      tpu.vector_store %arg11[%swap3A_278], %swap3A_281 {strides = array<i32>} : memref<512xf32, #tpu.memory_space<vmem>>, vector<16xf32>,
      %get3A_282 = arith.constant 272 : index
      %get3A_283 = tpu.vector_load %arg8[%get3A_282] {strides = array<i32>} : memref<512xf32, #tpu.memory_space<vmem>>, vector<16xf32>,
      %get3A_284 = vector.shape_cast %get3A_283 : vector<16xf32> to vector<16xf32>
      %mul3A_285 = arith.mulf %sub3A_79, %get3A_284 : vector<16xf32>
      %get3A_286 = arith.constant 272 : index
      %get3A_287 = tpu.vector_load %arg7[%get3A_286] {strides = array<i32>} : memref<512xf32, #tpu.memory_space<vmem>>, vector<16xf32>,
      %get3A_288 = vector.shape_cast %get3A_287 : vector<16xf32> to vector<16xf32>
      %add3A_289 = arith.addf %mul3A_285, %get3A_288 : vector<16xf32>
      %swap3A_290 = arith.constant 272 : index
      %swap3A_291 = tpu.vector_load %arg11[%swap3A_290] {strides = array<i32>} : memref<512xf32, #tpu.memory_space<vmem>>, vector<16xf32>,
      %swap3A_292 = vector.shape_cast %swap3A_291 : vector<16xf32> to vector<16xf32>
      %swap3A_293 = vector.shape_cast %add3A_289 : vector<16xf32> to vector<16xf32>
      tpu.vector_store %arg11[%swap3A_290], %swap3A_293 {strides = array<i32>} : memref<512xf32, #tpu.memory_space<vmem>>, vector<16xf32>,
      %get3A_294 = arith.constant 288 : index
      %get3A_295 = tpu.vector_load %arg8[%get3A_294] {strides = array<i32>} : memref<512xf32, #tpu.memory_space<vmem>>, vector<16xf32>,
      %get3A_296 = vector.shape_cast %get3A_295 : vector<16xf32> to vector<16xf32>
      %mul3A_297 = arith.mulf %sub3A_79, %get3A_296 : vector<16xf32>
      %get3A_298 = arith.constant 288 : index
      %get3A_299 = tpu.vector_load %arg7[%get3A_298] {strides = array<i32>} : memref<512xf32, #tpu.memory_space<vmem>>, vector<16xf32>,
      %get3A_300 = vector.shape_cast %get3A_299 : vector<16xf32> to vector<16xf32>
      %add3A_301 = arith.addf %mul3A_297, %get3A_300 : vector<16xf32>
      %swap3A_302 = arith.constant 288 : index
      %swap3A_303 = tpu.vector_load %arg11[%swap3A_302] {strides = array<i32>} : memref<512xf32, #tpu.memory_space<vmem>>, vector<16xf32>,
      %swap3A_304 = vector.shape_cast %swap3A_303 : vector<16xf32> to vector<16xf32>
      %swap3A_305 = vector.shape_cast %add3A_301 : vector<16xf32> to vector<16xf32>
      tpu.vector_store %arg11[%swap3A_302], %swap3A_305 {strides = array<i32>} : memref<512xf32, #tpu.memory_space<vmem>>, vector<16xf32>,
      %get3A_306 = arith.constant 304 : index
      %get3A_307 = tpu.vector_load %arg8[%get3A_306] {strides = array<i32>} : memref<512xf32, #tpu.memory_space<vmem>>, vector<16xf32>,
      %get3A_308 = vector.shape_cast %get3A_307 : vector<16xf32> to vector<16xf32>
      %mul3A_309 = arith.mulf %sub3A_79, %get3A_308 : vector<16xf32>
      %get3A_310 = arith.constant 304 : index
      %get3A_311 = tpu.vector_load %arg7[%get3A_310] {strides = array<i32>} : memref<512xf32, #tpu.memory_space<vmem>>, vector<16xf32>,
      %get3A_312 = vector.shape_cast %get3A_311 : vector<16xf32> to vector<16xf32>
      %add3A_313 = arith.addf %mul3A_309, %get3A_312 : vector<16xf32>
      %swap3A_314 = arith.constant 304 : index
      %swap3A_315 = tpu.vector_load %arg11[%swap3A_314] {strides = array<i32>} : memref<512xf32, #tpu.memory_space<vmem>>, vector<16xf32>,
      %swap3A_316 = vector.shape_cast %swap3A_315 : vector<16xf32> to vector<16xf32>
      %swap3A_317 = vector.shape_cast %add3A_313 : vector<16xf32> to vector<16xf32>
      tpu.vector_store %arg11[%swap3A_314], %swap3A_317 {strides = array<i32>} : memref<512xf32, #tpu.memory_space<vmem>>, vector<16xf32>,
      %get3A_318 = arith.constant 320 : index
      %get3A_319 = tpu.vector_load %arg8[%get3A_318] {strides = array<i32>} : memref<512xf32, #tpu.memory_space<vmem>>, vector<16xf32>,
      %get3A_320 = vector.shape_cast %get3A_319 : vector<16xf32> to vector<16xf32>
      %mul3A_321 = arith.mulf %sub3A_79, %get3A_320 : vector<16xf32>
      %get3A_322 = arith.constant 320 : index
      %get3A_323 = tpu.vector_load %arg7[%get3A_322] {strides = array<i32>} : memref<512xf32, #tpu.memory_space<vmem>>, vector<16xf32>,
      %get3A_324 = vector.shape_cast %get3A_323 : vector<16xf32> to vector<16xf32>
      %add3A_325 = arith.addf %mul3A_321, %get3A_324 : vector<16xf32>
      %swap3A_326 = arith.constant 320 : index
      %swap3A_327 = tpu.vector_load %arg11[%swap3A_326] {strides = array<i32>} : memref<512xf32, #tpu.memory_space<vmem>>, vector<16xf32>,
      %swap3A_328 = vector.shape_cast %swap3A_327 : vector<16xf32> to vector<16xf32>
      %swap3A_329 = vector.shape_cast %add3A_325 : vector<16xf32> to vector<16xf32>
      tpu.vector_store %arg11[%swap3A_326], %swap3A_329 {strides = array<i32>} : memref<512xf32, #tpu.memory_space<vmem>>, vector<16xf32>,
      %get3A_330 = arith.constant 336 : index
      %get3A_331 = tpu.vector_load %arg8[%get3A_330] {strides = array<i32>} : memref<512xf32, #tpu.memory_space<vmem>>, vector<16xf32>,
      %get3A_332 = vector.shape_cast %get3A_331 : vector<16xf32> to vector<16xf32>
      %mul3A_333 = arith.mulf %sub3A_79, %get3A_332 : vector<16xf32>
      %get3A_334 = arith.constant 336 : index
      %get3A_335 = tpu.vector_load %arg7[%get3A_334] {strides = array<i32>} : memref<512xf32, #tpu.memory_space<vmem>>, vector<16xf32>,
      %get3A_336 = vector.shape_cast %get3A_335 : vector<16xf32> to vector<16xf32>
      %add3A_337 = arith.addf %mul3A_333, %get3A_336 : vector<16xf32>
      %swap3A_338 = arith.constant 336 : index
      %swap3A_339 = tpu.vector_load %arg11[%swap3A_338] {strides = array<i32>} : memref<512xf32, #tpu.memory_space<vmem>>, vector<16xf32>,
      %swap3A_340 = vector.shape_cast %swap3A_339 : vector<16xf32> to vector<16xf32>
      %swap3A_341 = vector.shape_cast %add3A_337 : vector<16xf32> to vector<16xf32>
      tpu.vector_store %arg11[%swap3A_338], %swap3A_341 {strides = array<i32>} : memref<512xf32, #tpu.memory_space<vmem>>, vector<16xf32>,
      %get3A_342 = arith.constant 352 : index
      %get3A_343 = tpu.vector_load %arg8[%get3A_342] {strides = array<i32>} : memref<512xf32, #tpu.memory_space<vmem>>, vector<16xf32>,
      %get3A_344 = vector.shape_cast %get3A_343 : vector<16xf32> to vector<16xf32>
      %mul3A_345 = arith.mulf %sub3A_79, %get3A_344 : vector<16xf32>
      %get3A_346 = arith.constant 352 : index
      %get3A_347 = tpu.vector_load %arg7[%get3A_346] {strides = array<i32>} : memref<512xf32, #tpu.memory_space<vmem>>, vector<16xf32>,
      %get3A_348 = vector.shape_cast %get3A_347 : vector<16xf32> to vector<16xf32>
      %add3A_349 = arith.addf %mul3A_345, %get3A_348 : vector<16xf32>
      %swap3A_350 = arith.constant 352 : index
      %swap3A_351 = tpu.vector_load %arg11[%swap3A_350] {strides = array<i32>} : memref<512xf32, #tpu.memory_space<vmem>>, vector<16xf32>,
      %swap3A_352 = vector.shape_cast %swap3A_351 : vector<16xf32> to vector<16xf32>
      %swap3A_353 = vector.shape_cast %add3A_349 : vector<16xf32> to vector<16xf32>
      tpu.vector_store %arg11[%swap3A_350], %swap3A_353 {strides = array<i32>} : memref<512xf32, #tpu.memory_space<vmem>>, vector<16xf32>,
      %get3A_354 = arith.constant 368 : index
      %get3A_355 = tpu.vector_load %arg8[%get3A_354] {strides = array<i32>} : memref<512xf32, #tpu.memory_space<vmem>>, vector<16xf32>,
      %get3A_356 = vector.shape_cast %get3A_355 : vector<16xf32> to vector<16xf32>
      %mul3A_357 = arith.mulf %sub3A_79, %get3A_356 : vector<16xf32>
      %get3A_358 = arith.constant 368 : index
      %get3A_359 = tpu.vector_load %arg7[%get3A_358] {strides = array<i32>} : memref<512xf32, #tpu.memory_space<vmem>>, vector<16xf32>,
      %get3A_360 = vector.shape_cast %get3A_359 : vector<16xf32> to vector<16xf32>
      %add3A_361 = arith.addf %mul3A_357, %get3A_360 : vector<16xf32>
      %swap3A_362 = arith.constant 368 : index
      %swap3A_363 = tpu.vector_load %arg11[%swap3A_362] {strides = array<i32>} : memref<512xf32, #tpu.memory_space<vmem>>, vector<16xf32>,
      %swap3A_364 = vector.shape_cast %swap3A_363 : vector<16xf32> to vector<16xf32>
      %swap3A_365 = vector.shape_cast %add3A_361 : vector<16xf32> to vector<16xf32>
      tpu.vector_store %arg11[%swap3A_362], %swap3A_365 {strides = array<i32>} : memref<512xf32, #tpu.memory_space<vmem>>, vector<16xf32>,
      %get3A_366 = arith.constant 384 : index
      %get3A_367 = tpu.vector_load %arg8[%get3A_366] {strides = array<i32>} : memref<512xf32, #tpu.memory_space<vmem>>, vector<16xf32>,
      %get3A_368 = vector.shape_cast %get3A_367 : vector<16xf32> to vector<16xf32>
      %mul3A_369 = arith.mulf %sub3A_79, %get3A_368 : vector<16xf32>
      %get3A_370 = arith.constant 384 : index
      %get3A_371 = tpu.vector_load %arg7[%get3A_370] {strides = array<i32>} : memref<512xf32, #tpu.memory_space<vmem>>, vector<16xf32>,
      %get3A_372 = vector.shape_cast %get3A_371 : vector<16xf32> to vector<16xf32>
      %add3A_373 = arith.addf %mul3A_369, %get3A_372 : vector<16xf32>
      %swap3A_374 = arith.constant 384 : index
      %swap3A_375 = tpu.vector_load %arg11[%swap3A_374] {strides = array<i32>} : memref<512xf32, #tpu.memory_space<vmem>>, vector<16xf32>,
      %swap3A_376 = vector.shape_cast %swap3A_375 : vector<16xf32> to vector<16xf32>
      %swap3A_377 = vector.shape_cast %add3A_373 : vector<16xf32> to vector<16xf32>
      tpu.vector_store %arg11[%swap3A_374], %swap3A_377 {strides = array<i32>} : memref<512xf32, #tpu.memory_space<vmem>>, vector<16xf32>,
      %get3A_378 = arith.constant 400 : index
      %get3A_379 = tpu.vector_load %arg8[%get3A_378] {strides = array<i32>} : memref<512xf32, #tpu.memory_space<vmem>>, vector<16xf32>,
      %get3A_380 = vector.shape_cast %get3A_379 : vector<16xf32> to vector<16xf32>
      %mul3A_381 = arith.mulf %sub3A_79, %get3A_380 : vector<16xf32>
      %get3A_382 = arith.constant 400 : index
      %get3A_383 = tpu.vector_load %arg7[%get3A_382] {strides = array<i32>} : memref<512xf32, #tpu.memory_space<vmem>>, vector<16xf32>,
      %get3A_384 = vector.shape_cast %get3A_383 : vector<16xf32> to vector<16xf32>
      %add3A_385 = arith.addf %mul3A_381, %get3A_384 : vector<16xf32>
      %swap3A_386 = arith.constant 400 : index
      %swap3A_387 = tpu.vector_load %arg11[%swap3A_386] {strides = array<i32>} : memref<512xf32, #tpu.memory_space<vmem>>, vector<16xf32>,
      %swap3A_388 = vector.shape_cast %swap3A_387 : vector<16xf32> to vector<16xf32>
      %swap3A_389 = vector.shape_cast %add3A_385 : vector<16xf32> to vector<16xf32>
      tpu.vector_store %arg11[%swap3A_386], %swap3A_389 {strides = array<i32>} : memref<512xf32, #tpu.memory_space<vmem>>, vector<16xf32>,
      %get3A_390 = arith.constant 416 : index
      %get3A_391 = tpu.vector_load %arg8[%get3A_390] {strides = array<i32>} : memref<512xf32, #tpu.memory_space<vmem>>, vector<16xf32>,
      %get3A_392 = vector.shape_cast %get3A_391 : vector<16xf32> to vector<16xf32>
      %mul3A_393 = arith.mulf %sub3A_79, %get3A_392 : vector<16xf32>
      %get3A_394 = arith.constant 416 : index
      %get3A_395 = tpu.vector_load %arg7[%get3A_394] {strides = array<i32>} : memref<512xf32, #tpu.memory_space<vmem>>, vector<16xf32>,
      %get3A_396 = vector.shape_cast %get3A_395 : vector<16xf32> to vector<16xf32>
      %add3A_397 = arith.addf %mul3A_393, %get3A_396 : vector<16xf32>
      %swap3A_398 = arith.constant 416 : index
      %swap3A_399 = tpu.vector_load %arg11[%swap3A_398] {strides = array<i32>} : memref<512xf32, #tpu.memory_space<vmem>>, vector<16xf32>,
      %swap3A_400 = vector.shape_cast %swap3A_399 : vector<16xf32> to vector<16xf32>
      %swap3A_401 = vector.shape_cast %add3A_397 : vector<16xf32> to vector<16xf32>
      tpu.vector_store %arg11[%swap3A_398], %swap3A_401 {strides = array<i32>} : memref<512xf32, #tpu.memory_space<vmem>>, vector<16xf32>,
      %get3A_402 = arith.constant 432 : index
      %get3A_403 = tpu.vector_load %arg8[%get3A_402] {strides = array<i32>} : memref<512xf32, #tpu.memory_space<vmem>>, vector<16xf32>,
      %get3A_404 = vector.shape_cast %get3A_403 : vector<16xf32> to vector<16xf32>
      %mul3A_405 = arith.mulf %sub3A_79, %get3A_404 : vector<16xf32>
      %get3A_406 = arith.constant 432 : index
      %get3A_407 = tpu.vector_load %arg7[%get3A_406] {strides = array<i32>} : memref<512xf32, #tpu.memory_space<vmem>>, vector<16xf32>,
      %get3A_408 = vector.shape_cast %get3A_407 : vector<16xf32> to vector<16xf32>
      %add3A_409 = arith.addf %mul3A_405, %get3A_408 : vector<16xf32>
      %swap3A_410 = arith.constant 432 : index
      %swap3A_411 = tpu.vector_load %arg11[%swap3A_410] {strides = array<i32>} : memref<512xf32, #tpu.memory_space<vmem>>, vector<16xf32>,
      %swap3A_412 = vector.shape_cast %swap3A_411 : vector<16xf32> to vector<16xf32>
      %swap3A_413 = vector.shape_cast %add3A_409 : vector<16xf32> to vector<16xf32>
      tpu.vector_store %arg11[%swap3A_410], %swap3A_413 {strides = array<i32>} : memref<512xf32, #tpu.memory_space<vmem>>, vector<16xf32>,
      %get3A_414 = arith.constant 448 : index
      %get3A_415 = tpu.vector_load %arg8[%get3A_414] {strides = array<i32>} : memref<512xf32, #tpu.memory_space<vmem>>, vector<16xf32>,
      %get3A_416 = vector.shape_cast %get3A_415 : vector<16xf32> to vector<16xf32>
      %mul3A_417 = arith.mulf %sub3A_79, %get3A_416 : vector<16xf32>
      %get3A_418 = arith.constant 448 : index
      %get3A_419 = tpu.vector_load %arg7[%get3A_418] {strides = array<i32>} : memref<512xf32, #tpu.memory_space<vmem>>, vector<16xf32>,
      %get3A_420 = vector.shape_cast %get3A_419 : vector<16xf32> to vector<16xf32>
      %add3A_421 = arith.addf %mul3A_417, %get3A_420 : vector<16xf32>
      %swap3A_422 = arith.constant 448 : index
      %swap3A_423 = tpu.vector_load %arg11[%swap3A_422] {strides = array<i32>} : memref<512xf32, #tpu.memory_space<vmem>>, vector<16xf32>,
      %swap3A_424 = vector.shape_cast %swap3A_423 : vector<16xf32> to vector<16xf32>
      %swap3A_425 = vector.shape_cast %add3A_421 : vector<16xf32> to vector<16xf32>
      tpu.vector_store %arg11[%swap3A_422], %swap3A_425 {strides = array<i32>} : memref<512xf32, #tpu.memory_space<vmem>>, vector<16xf32>,
      %get3A_426 = arith.constant 464 : index
      %get3A_427 = tpu.vector_load %arg8[%get3A_426] {strides = array<i32>} : memref<512xf32, #tpu.memory_space<vmem>>, vector<16xf32>,
      %get3A_428 = vector.shape_cast %get3A_427 : vector<16xf32> to vector<16xf32>
      %mul3A_429 = arith.mulf %sub3A_79, %get3A_428 : vector<16xf32>
      %get3A_430 = arith.constant 464 : index
      %get3A_431 = tpu.vector_load %arg7[%get3A_430] {strides = array<i32>} : memref<512xf32, #tpu.memory_space<vmem>>, vector<16xf32>,
      %get3A_432 = vector.shape_cast %get3A_431 : vector<16xf32> to vector<16xf32>
      %add3A_433 = arith.addf %mul3A_429, %get3A_432 : vector<16xf32>
      %swap3A_434 = arith.constant 464 : index
      %swap3A_435 = tpu.vector_load %arg11[%swap3A_434] {strides = array<i32>} : memref<512xf32, #tpu.memory_space<vmem>>, vector<16xf32>,
      %swap3A_436 = vector.shape_cast %swap3A_435 : vector<16xf32> to vector<16xf32>
      %swap3A_437 = vector.shape_cast %add3A_433 : vector<16xf32> to vector<16xf32>
      tpu.vector_store %arg11[%swap3A_434], %swap3A_437 {strides = array<i32>} : memref<512xf32, #tpu.memory_space<vmem>>, vector<16xf32>,
      %get3A_438 = arith.constant 480 : index
      %get3A_439 = tpu.vector_load %arg8[%get3A_438] {strides = array<i32>} : memref<512xf32, #tpu.memory_space<vmem>>, vector<16xf32>,
      %get3A_440 = vector.shape_cast %get3A_439 : vector<16xf32> to vector<16xf32>
      %mul3A_441 = arith.mulf %sub3A_79, %get3A_440 : vector<16xf32>
      %get3A_442 = arith.constant 480 : index
      %get3A_443 = tpu.vector_load %arg7[%get3A_442] {strides = array<i32>} : memref<512xf32, #tpu.memory_space<vmem>>, vector<16xf32>,
      %get3A_444 = vector.shape_cast %get3A_443 : vector<16xf32> to vector<16xf32>
      %add3A_445 = arith.addf %mul3A_441, %get3A_444 : vector<16xf32>
      %swap3A_446 = arith.constant 480 : index
      %swap3A_447 = tpu.vector_load %arg11[%swap3A_446] {strides = array<i32>} : memref<512xf32, #tpu.memory_space<vmem>>, vector<16xf32>,
      %swap3A_448 = vector.shape_cast %swap3A_447 : vector<16xf32> to vector<16xf32>
      %swap3A_449 = vector.shape_cast %add3A_445 : vector<16xf32> to vector<16xf32>
      tpu.vector_store %arg11[%swap3A_446], %swap3A_449 {strides = array<i32>} : memref<512xf32, #tpu.memory_space<vmem>>, vector<16xf32>,
      %get3A_450 = arith.constant 496 : index
      %get3A_451 = tpu.vector_load %arg8[%get3A_450] {strides = array<i32>} : memref<512xf32, #tpu.memory_space<vmem>>, vector<16xf32>,
      %get3A_452 = vector.shape_cast %get3A_451 : vector<16xf32> to vector<16xf32>
      %mul3A_453 = arith.mulf %sub3A_79, %get3A_452 : vector<16xf32>
      %get3A_454 = arith.constant 496 : index
      %get3A_455 = tpu.vector_load %arg7[%get3A_454] {strides = array<i32>} : memref<512xf32, #tpu.memory_space<vmem>>, vector<16xf32>,
      %get3A_456 = vector.shape_cast %get3A_455 : vector<16xf32> to vector<16xf32>
      %add3A_457 = arith.addf %mul3A_453, %get3A_456 : vector<16xf32>
      %swap3A_458 = arith.constant 496 : index
      %swap3A_459 = tpu.vector_load %arg11[%swap3A_458] {strides = array<i32>} : memref<512xf32, #tpu.memory_space<vmem>>, vector<16xf32>,
      %swap3A_460 = vector.shape_cast %swap3A_459 : vector<16xf32> to vector<16xf32>
      %swap3A_461 = vector.shape_cast %add3A_457 : vector<16xf32> to vector<16xf32>
      tpu.vector_store %arg11[%swap3A_458], %swap3A_461 {strides = array<i32>} : memref<512xf32, #tpu.memory_space<vmem>>, vector<16xf32>,
      "tpu.region"() ({
        %run_scoped3A = tpu.sem_alloc : memref<!tpu.dma_semaphore, #tpu.memory_space<semaphore_mem>>
        %dma_start3A = arith.constant 0 : i32
        %dma_start3A_463 = tpu.memref_slice %arg6[%add3A_11, %dma_start3A] : memref<256x512xf32, #tpu.memory_space<hbm>> -> memref<1x512xf32, #tpu.memory_space<hbm>>
        %dma_start3A_464 = tpu.memref_squeeze %dma_start3A_463 : memref<1x512xf32, #tpu.memory_space<hbm>> -> memref<512xf32, #tpu.memory_space<hbm>>
        %dma_start3A_465 = arith.constant 0 : i32
        %dma_start3A_466 = tpu.memref_slice %arg6[%add3A_11, %dma_start3A_465] : memref<256x512xf32, #tpu.memory_space<hbm>> -> memref<1x512xf32, #tpu.memory_space<hbm>>
        %dma_start3A_467 = tpu.memref_squeeze %dma_start3A_466 : memref<1x512xf32, #tpu.memory_space<hbm>> -> memref<512xf32, #tpu.memory_space<hbm>>
        tpu.enqueue_dma source(%arg11 : memref<512xf32, #tpu.memory_space<vmem>>) target(%dma_start3A_467 : memref<512xf32, #tpu.memory_space<hbm>>) target_semaphore(%run_scoped3A : memref<!tpu.dma_semaphore, #tpu.memory_space<semaphore_mem>>)
        %dma_wait3A = arith.constant 0 : i32
        %dma_wait3A_468 = tpu.memref_slice %arg6[%add3A_11, %dma_wait3A] : memref<256x512xf32, #tpu.memory_space<hbm>> -> memref<1x512xf32, #tpu.memory_space<hbm>>
        %dma_wait3A_469 = tpu.memref_squeeze %dma_wait3A_468 : memref<1x512xf32, #tpu.memory_space<hbm>> -> memref<512xf32, #tpu.memory_space<hbm>>
        %dma_wait3A_470 = arith.constant 0 : i32
        %dma_wait3A_471 = tpu.memref_slice %arg6[%add3A_11, %dma_wait3A_470] : memref<256x512xf32, #tpu.memory_space<hbm>> -> memref<1x512xf32, #tpu.memory_space<hbm>>
        %dma_wait3A_472 = tpu.memref_squeeze %dma_wait3A_471 : memref<1x512xf32, #tpu.memory_space<hbm>> -> memref<512xf32, #tpu.memory_space<hbm>>
        tpu.wait_dma2 semaphore(%run_scoped3A : memref<!tpu.dma_semaphore, #tpu.memory_space<semaphore_mem>>) src(%arg11 : memref<512xf32, #tpu.memory_space<vmem>>) dst(%dma_wait3A_472 : memref<512xf32, #tpu.memory_space<hbm>>)
        tpu.yield
      }) : () -> ()
      %scan3A_462 = arith.constant 0 : i32
      scf.yield %scan3A_462 : i32
    }
    %scan3A_6 = arith.constant 8 : i32
    return
  }
}

</mosaic_0001>

<sc_bundles>
// kernel: kernel.3.cloned.1.call-start
scs
__scs_entry_jumppad:
0x0: {  	(pc) =	sbr.rel $0x88, $3  }
0x1: {  	(tag) =	ssettag $0x0;
	lr =	simm.s32 $0x1  }
0x2: {  	[smem:$0x3F9E] =	sst lr;
	_ =	strace $0xD0000000  }
0x3: {  	_ = 	snop  }
0x4: {  	_ = 	snop  }
0x5: {  	_ = 	snop  }
0x6: {  	_ = 	snop  }
0x7: {  	_ = 	snop  }
__scs_overlays_trampoline_lowered:
0x8: {  	[smem:$0x3FAD] =	sst s0  }
0x9: {  	[smem:$0x3FAE] =	sst s1  }
0xa: {  	[smem:$0x3FAF] =	sst s2  }
0xb: {  	[smem:$0x3FB0] =	sst s3  }
0xc: {  	[smem:$0x3FB1] =	sst s4  }
0xd: {  	[smem:$0x3FB2] =	sst s5  }
0xe: {  	[smem:$0x3FB3] =	sst s6  }
0xf: {  	[smem:$0x3FB4] =	sst s7  }
0x10: {  	[smem:$0x3FB5] =	sst s8  }
0x11: {  	[smem:$0x3FB6] =	sst s9;
	s0 =	simm.s32 @!p0 $0x0  }
0x12: {  	s1 =	sld [smem:$0x3F9C];
	s0 =	simm.s32 @p0 $0x1  }
0x13: {  	[smem:$0x3FB7] =	sst s0;
	s0 =	simm.s32 @!p1 $0x0  }
0x14: {  	s2 =	sld [smem:$0x3F9B];
	s0 =	simm.s32 @p1 $0x1  }
0x15: {  	[smem:$0x3FB8] =	sst s0;
	s0 =	simm.s32 @!p2 $0x0  }
0x16: {  	s3 =	sld [smem:$0x3FDB];
	s0 =	simm.s32 @p2 $0x1  }
0x17: {  	s4 =	simm.s32 $0x1BF5;
	[smem:$0x3FBA] =	sst s0  }
0x18: {  	s0 =	sld [smem:$0x3F9D];
	_ =	swait.ge [sflag:s4], $0x0  }
0x19: {  	s7 =	sld [smem:$0x3F9E]  }
0x1a: {  	s8 =	sadd.s32 $0xFFFFE003, lr  }
0x1b: {  	s9 =	sadd.s32 $0xFFFFFEF7, lr;
	s5 =	simm.s32 $0xFFFFFFFF;
	p2 =	slt.u32 s8, $0xFFFFF086  }
0x1c: {  	p1 =	slt.u32 s9, $0xF7A;
	s5 =	simm.s32 @!p2 $0x0  }
0x1d: {  	s5 =	simm.s32 @p1 $0x1;
	p0 =	seq.s32 s7, s2  }
0x1e: {  	s7 =	smul.u32 @!p0 $0xF7A, s2;
	p2 =	seq.s32 @!p0 s5, $0x0  }
0x1f: {  	s9 =	smul.u32 $0xF7A, s1;
	s8 =	simm.s32 @!p0 $0x1BF5;
	p2 =	por !p2, p0  }
0x20: {  	[sflag:s8] =	ssyncset.s32 @!p0 $0xFFFFF086;
	s6 =	sadd.s32 @!p0 s3, s7;
	s7 =	simm.s32 @!p0 $0x108  }
0x21: {  	s3 =	sadd.s32 s3, s9;
	s6 =	sadd.s32 @!p0 $0x88, s6;
	s7 =	simm.s32 @p2 $0x1082  }
0x22: {  	[simem:s7], [sflag:s8] =	dma.local @!p0 [hbm:s6], $0xF7A  }
0x23: {  	s9 =	sor.u32 $0xD0000000, s2;
	s6 =	simm.s32 $0x108;
	_ =	swait.ge @!p0 [sflag:s8], $0x0  }
0x24: {  	s3 =	sadd.s32 $0x88, s3;
	s6 =	simm.s32 @!p1 $0x1082;
	[sflag:s4] =	ssyncset.s32 $0xFFFFF086  }
0x25: {  	[simem:s6], [sflag:s4] =	dma.local [hbm:s3], $0xF7A  }
0x26: {  	[smem:$0x3F9E] =	sst s1;
	(tag) =	ssettag s2;
	_ =	strace s9  }
0x27: {  	s1 =	sld [smem:$0x3FAE]  }
0x28: {  	s2 =	sld [smem:$0x3FAF]  }
0x29: {  	s4 =	sld [smem:$0x3FB1]  }
0x2a: {  	p0 =	seq.s32 s5, $0x0;
	s5 =	sld [smem:$0x3FB2]  }
0x2b: {  	s6 =	sld [smem:$0x3FB3]  }
0x2c: {  	s7 =	sld [smem:$0x3FB4]  }
0x2d: {  	s3 =	simm.s32 $0x108;
	s8 =	sld [smem:$0x3FB5]  }
0x2e: {  	s3 =	simm.s32 @!p0 $0x1082;
	s9 =	sld [smem:$0x3FB6]  }
0x2f: {  	lr =	sadd.s32 s0, s3;
	s0 =	sld [smem:$0x3FAD]  }
0x30: {  	s3 =	sld [smem:$0x3FB0]  }
0x31: {  	[smem:$0x3FB9] =	sst s10  }
0x32: {  	s10 =	sld [smem:$0x3FB7];
	_ =	sdelay $0x3  }
0x33: {  	p0 =	seq.s32 s10, $0x1;
	s10 =	sld [smem:$0x3FB9];
	_ =	sdelay $0x3  }
0x34: {  	[smem:$0x3FB9] =	sst s10  }
0x35: {  	s10 =	sld [smem:$0x3FB8];
	_ =	sdelay $0x3  }
0x36: {  	p1 =	seq.s32 s10, $0x1;
	s10 =	sld [smem:$0x3FB9];
	_ =	sdelay $0x3  }
0x37: {  	[smem:$0x3FB9] =	sst s10  }
0x38: {  	s10 =	sld [smem:$0x3FBA]  }
0x39: {  	_ = 	snop;
	(pc) =	sbr.ind lr, $3  }
0x3a: {  	_ = 	snop  }
0x3b: {  	_ = 	snop  }
0x3c: {  	p2 =	seq.s32 s10, $0x1;
	s10 =	sld [smem:$0x3FB9]  }
0x3d: {  	_ =	shalt  }
0x3e: {  	_ =	shalt  }
0x3f: {  	_ =	shalt  }
0x40: {  	_ =	shalt  }
0x41: {  	_ =	shalt  }
0x42: {  	_ =	shalt  }
0x43: {  	_ =	shalt  }
0x44: {  	_ =	shalt  }
0x45: {  	_ =	shalt  }
0x46: {  	_ =	shalt  }
0x47: {  	_ =	shalt  }
0x48: {  	_ =	shalt  }
0x49: {  	_ =	shalt  }
0x4a: {  	_ =	shalt  }
0x4b: {  	_ =	shalt  }
0x4c: {  	_ =	shalt  }
0x4d: {  	_ =	shalt  }
0x4e: {  	_ =	shalt  }
0x4f: {  	_ =	shalt  }
0x50: {  	_ =	shalt  }
0x51: {  	_ =	shalt  }
0x52: {  	_ =	shalt  }
0x53: {  	_ =	shalt  }
0x54: {  	_ =	shalt  }
0x55: {  	_ =	shalt  }
0x56: {  	_ =	shalt  }
0x57: {  	_ =	shalt  }
0x58: {  	_ =	shalt  }
0x59: {  	_ =	shalt  }
0x5a: {  	_ =	shalt  }
0x5b: {  	_ =	shalt  }
0x5c: {  	_ =	shalt  }
0x5d: {  	_ =	shalt  }
0x5e: {  	_ =	shalt  }
0x5f: {  	_ =	shalt  }
0x60: {  	_ =	shalt  }
0x61: {  	_ =	shalt  }
0x62: {  	_ =	shalt  }
0x63: {  	_ =	shalt  }
0x64: {  	_ =	shalt  }
0x65: {  	_ =	shalt  }
0x66: {  	_ =	shalt  }
0x67: {  	_ =	shalt  }
0x68: {  	_ =	shalt  }
0x69: {  	_ =	shalt  }
0x6a: {  	_ =	shalt  }
0x6b: {  	_ =	shalt  }
0x6c: {  	_ =	shalt  }
0x6d: {  	_ =	shalt  }
0x6e: {  	_ =	shalt  }
0x6f: {  	_ =	shalt  }
0x70: {  	_ =	shalt  }
0x71: {  	_ =	shalt  }
0x72: {  	_ =	shalt  }
0x73: {  	_ =	shalt  }
0x74: {  	_ =	shalt  }
0x75: {  	_ =	shalt  }
0x76: {  	_ =	shalt  }
0x77: {  	_ =	shalt  }
0x78: {  	_ =	shalt  }
0x79: {  	_ =	shalt  }
0x7a: {  	_ =	shalt  }
0x7b: {  	_ =	shalt  }
0x7c: {  	_ =	shalt  }
0x7d: {  	_ =	shalt  }
0x7e: {  	_ =	shalt  }
0x7f: {  	_ =	shalt  }
0x80: {  	_ =	shalt  }
0x81: {  	_ =	shalt  }
0x82: {  	_ =	shalt  }
0x83: {  	_ =	shalt  }
0x84: {  	_ =	shalt  }
0x85: {  	_ =	shalt  }
0x86: {  	_ =	shalt  }
0x87: {  	_ =	shalt  }
.Lfunc_end0:
.L_simem_size_0:
called_computation_lowered:
.L_overlay_start_0:
0x88: {  	s2 =	sld [smem:$0x3FD9]  }
0x89: {  	s3 =	sld [smem:$0x3FFE];
	_ =	sdelay $0x1  }
0x8a: {  	s1 =	srdreg.scid  }
0x8b: {  	s0 =	sand.u32 $0x1, s1  }
0x8c: {  	s14 =	sshll.u32 s0, $0xA;
	s2 =	sadd.s32 s3, s2  }
0x8d: {  	s2 =	sadd.s32 s2, s14  }
0x8e: {  	[smem:$0x3FC5] =	sst s2  }
0x8f: {  	_ = 	snop  }
0x90: {  	s2 =	sld [smem:$0x3FD0];
	_ =	sdelay $0x2  }
0x91: {  	s4 =	simm.s32 $0xA;
	s5 =	simm.s32 $0x10;
	s15 =	sld [smem:$0x3FC8]  }
0x92: {  	[smem:s5], [sflag:s4] =	dma.local [hbm:s2], $0x1  }
0x93: {  	_ =	swait.eq [sflag:s4], $0x1  }
0x94: {  	[sflag:s4] =	ssyncset.done $0x0  }
0x95: {  	s16 =	sld [smem:$0x10];
	[sflag:s4] =	ssyncadd.s32 $0xFFFFFFFF  }
0x96: {  	s17 =	sld [smem:$0x11];
	(tm) =	ssettm $0x1  }
0x97: {  	s18 =	sld [smem:$0x3FFB];
	_ =	sdelay $0x3  }
0x98: {  	_ =	strace s18  }
0x99: {  	s5 =	sld [smem:$0x3FFC];
	_ =	sdelay $0x3  }
0x9a: {  	_ =	strace s5  }
0x9b: {  	s5 =	sld [smem:$0x3FFD];
	_ =	sdelay $0x3  }
0x9c: {  	_ =	strace s5  }
0x9d: {  	_ =	strace $0x8FFFFFFF  }
0x9e: {  	s19 =	sld [smem:$0x3FDB];
	_ =	sdelay $0x1  }
0x9f: {  	s6 =	simm.s32 $_scs_section_size  }
0xa0: {  	s7 =	simm.s32 $_size__tile_overlayer_lowered;
	s8 =	simm.s32 $_tile_overlayer_lowered  }
0xa1: {  	s22 =	simm.s32 $0x1BFF;
	s21 =	sshll.u32 s8, $0x1;
	s5 =	sadd.s32 s6, s19  }
0xa2: {  	s9 =	simm.s32 $0x0;
	s20 =	sshll.u32 s7, $0x1;
	s7 =	sadd.s32 s21, s5  }
0xa3: {  	[timem:s9], [sflag:s22] =	dma.local [hbm:s7], s20  }
0xa4: {  	_ =	swait.ge [sflag:s22], s20  }
0xa5: {  	s6 =	ssub.s32 $0x0, s20;
	[sflag:s22] =	ssyncset.done $0x0  }
0xa6: {  	[sflag:s22] =	ssyncadd.s32 s6;
	_ =	sdelay $0x1  }
0xa7: {  	s23 =	simm.s32 $0x1B8B  }
0xa8: {  	_ =	swait.ge [sflag:s23], $0x1  }
0xa9: {  	[sflag:s23] =	ssyncset.done $0x0  }
0xaa: {  	s25 =	simm.s32 $0x1B8E;
	s24 =	sld [smem:$0x3FFE];
	[sflag:s23] =	ssyncadd.s32 $0xFFFFFFFF  }
0xab: {  	s26 =	simm.s32 $execute0_lowered;
	[smem:$0x3FD2] =	sst s25  }
0xac: {  	s7 =	sshll.u32 s26, $0x1;
	_ =	strace $0x80000046;
	[dreg:$0x1] =	wrdreg $0xFFFFFFFF  }
0xad: {  	s28 =	simm.s32 $_size_execute0_lowered;
	s5 =	sadd.s32 s5, s7;
	[dreg:$0x0] =	wrdreg $0x0  }
0xae: {  	s7 =	sshll.u32 s28, $0x1;
	[dreg:$0x2] =	wrdreg s5  }
0xaf: {  	[dreg:$0x3] =	wrdreg s7  }
0xb0: {  	[dreg:$0x4] =	wrdreg $0xC0  }
0xb1: {  	_ =	task [dreg:s9], $0x5FFFF  }
0xb2: {  	[dreg:$0x1] =	wrdreg $0xFFFFFFFF  }
0xb3: {  	[dreg:$0x0] =	wrdreg $0x60  }
0xb4: {  	[dreg:$0x2] =	wrdreg s24  }
0xb5: {  	[dreg:$0x3] =	wrdreg s17  }
0xb6: {  	[dreg:$0x4] =	wrdreg s15  }
0xb7: {  	[dreg:$0x5] =	wrdreg s16  }
0xb8: {  	[dreg:$0x6] =	wrdreg $0x9  }
0xb9: {  	_ =	task.clear_ibuf [dreg:s9], $0x7FFFF;
	_ =	strace $0x90000046  }
0xba: {  	s29 =	simm.s32 $0x9;
	_ =	strace $0x80000048  }
0xbb: {  	_ =	swait.ge [sflag:s29], $0x1  }
0xbc: {  	[sflag:s29] =	ssyncadd.s32 $0xFFFFFFFF  }
0xbd: {  	_ =	strace $0x90000048  }
0xbe: {  	_ =	sfence  }
0xbf: {  	s30 =	sld [smem:$0x0];
	_ =	sdelay $0x2  }
0xc0: {  	s31 =	sshll.u32 s1, $0xD;
	s1 =	sshrl.u32 s1, $0x2  }
0xc1: {  	s3 =	sand.u32 $0x4000, s31;
	s1 =	sadd.s32 s1, s30  }
0xc2: {  	s0 =	sor.u32 s3, s0;
	s1 =	sshll.u32 s1, $0x11  }
0xc3: {  	s0 =	sor.u32 s1, s0  }
0xc4: {  	s0 =	sadd.s32 $0x8F2B, s0  }
0xc5: {  	[sflag:s0] =	ssyncadd.remote.s32 $0x1  }
0xc6: {  	_ =	sfence.sel $0xFFFF  }
0xc7: {  	[dreg:$0x0] =	wrdreg $0xFFFFFFFF;
	(pc) =	sbr.abs _section_cstart, $3  }
0xc8: {  	[dreg:$0x1] =	wrdreg $0xFFFFFFFF  }
0xc9: {  	_ =	task.clear_ibuf [dreg:s9], $0x2FFFF;
	_ =	strace $0x9FFFFFFF  }
0xca: {  	(tm) =	ssettm $0x7FFFFFFF  }
0xcb: {  	_ =	shalt  }
tec
execute0_lowered:
.L_overlay_start_1:
0x0: {  	(tag) =	ssettag $0x1  }
0x1: {  	v0 =	vlaneseq.u32  }
0x2: {  	v19 =	vimm.s32 $0xFEDCBA98;
	v21 =	vimm.s32 $0x76543210;
	v31 =	vimm.s32 $0x32107654  }
0x3: {  	v32 =	vimm.s32 $0xDCFE98BA;
	v33 =	vimm.s32 $0x54761032;
	v34 =	vimm.s32 $0xEFCDAB89  }
0x4: {  	v35 =	vimm.s32 $0x67452301;
	v1 =	vor.u32 $0x10, v0;
	v2 =	vor.u32 $0x20, v0  }
0x5: {  	v3 =	vor.u32 $0x30, v0;
	v4 =	vor.u32 $0x40, v0;
	v23 =	vunpack.c.l.s4.s8 v19  }
0x6: {  	v5 =	vor.u32 $0x50, v0;
	v6 =	vor.u32 $0x60, v0;
	v25 =	vunpack.c.l.s4.s8 v21  }
0x7: {  	v7 =	vor.u32 $0x70, v0;
	v8 =	vor.u32 $0x80, v0;
	v27 =	vunpack.c.0.s8.s32 v23  }
0x8: {  	v9 =	vor.u32 $0x90, v0;
	v10 =	vor.u32 $0xA0, v0;
	v29 =	vunpack.c.0.s8.s32 v25  }
0x9: {  	v11 =	vor.u32 $0xB0, v0;
	v12 =	vor.u32 $0xC0, v0;
	v30 =	vand.u32 $0xF, v27  }
0xa: {  	s7 =	rddreg [dreg:$0x0];
	v13 =	vor.u32 $0xD0, v0;
	v29 =	vcombine.low v30, v29;
	v30 =	vimm.s32 $0xBA98FEDC  }
0xb: {  	s0 =	rddreg [dreg:$0x1];
	v14 =	vor.u32 $0xE0, v0;
	v31 =	vunpack.c.l.s4.s8 v31;
	v30 =	vunpack.c.l.s4.s8 v30  }
0xc: {  	s1 =	rddreg [dreg:$0x2];
	v15 =	vor.u32 $0xF0, v0;
	v16 =	vor.u32 $0x100, v0;
	v32 =	vunpack.c.l.s4.s8 v32  }
0xd: {  	s2 =	rddreg [dreg:$0x3];
	s3 =	simm.s32 $0x0;
	v33 =	vunpack.c.l.s4.s8 v33;
	v31 =	vunpack.c.0.s8.s32 v31;
	v36 =	vunpack.c.0.s8.s32 v30  }
0xe: {  	s4 =	rddreg [dreg:$0x4];
	s6 =	srdreg.scid;
	s12 =	simm.s32 $0x400;
	v17 =	vor.u32 $0x110, v0;
	v34 =	vunpack.c.l.s4.s8 v34;
	v35 =	vunpack.c.l.s4.s8 v35  }
0xf: {  	s13 =	simm.s32 $0x1;
	s14 =	simm.s32 $0x200;
	s15 =	simm.s32 $0x8400;
	v37 =	vunpack.c.0.s8.s32 v32;
	v33 =	vunpack.c.0.s8.s32 v33;
	[tilespmem:$0x1FFC0] =	vst v29;
	v29 =	vcombine.low v31, v36  }
0x10: {  	s16 =	simm.s32 $0x10400;
	s17 =	simm.s32 $0x0;
	v18 =	vor.u32 $0x120, v0;
	v19 =	vor.u32 $0x130, v0;
	v20 =	vor.u32 $0x140, v0;
	[smem:$0x7FF] =	sst s3  }
0x11: {  	s20 =	simm.s32 $0x0;
	s8 =	sand.u32 $0x1, s6;
	v38 =	vunpack.c.0.s8.s32 v34;
	v35 =	vunpack.c.0.s8.s32 v35;
	_ =	strace $0x80000047;
	[tilespmem:$0x1FFD0] =	vst v29;
	v29 =	vcombine.low v33, v37  }
0x12: {  	v21 =	vor.u32 $0x150, v0;
	v22 =	vor.u32 $0x160, v0;
	v24 =	vor.u32 $0x180, v0;
	s5 =	sadd.s32 $0xA00, s7;
	s6 =	stileid.u32;
	s9 =	ssub.s32 $0x2, s8  }
0x13: {  	v26 =	vor.u32 $0x1A0, v0;
	v28 =	vor.u32 $0x1C0, v0;
	s11 =	sshll.u32 s6, $0x4;
	s8 =	sshll.u32 s8, $0x3;
	s10 =	sshrl.u32 s9, $0x1;
	[tilespmem:$0x1FFE0] =	vst v29;
	v29 =	vcombine.low v35, v38  }
0x14: {  	s7 =	sadd.s32 $0x4A00, s7;
	v23 =	vor.u32 $0x170, v0;
	v25 =	vor.u32 $0x190, v0;
	s8 =	sor.u32 s8, s11;
	v32 =	vor.u32 $0x1E0, v0;
	s10 =	ssub.s32 s9, s10  }
0x15: {  	s11 =	simm.s32 $0x80;
	v34 =	vor.u32 $0x1F0, v0;
	s9 =	sshll.u32 s8, $0x6;
	v27 =	vor.u32 $0x1B0, v0;
	s10 =	smax.u32 s10, $0x1;
	v30 =	vor.u32 $0x1D0, v0;
	[tilespmem:$0x1FFF0] =	vst v29  }
.LBB2_1:
0x16: {  	s18 =	simm.s32 $0x0  }
.LBB2_2:
0x17: {  	s19 =	sshll.u32 s18, $0x4  }
0x18: {  	s19 =	sadd.s32 s9, s19  }
0x19: {  	s21 =	sadd.s32 s5, s19  }
0x1a: {  	[tilespmem:s20], [sflag:$0x1] =	stream.strided.gather [hbm4b:s21+s11], $0x200, s12, s11, $0x38;
	[tilespmem:$0x10600] =	vst v63  }
0x1b: {  	_ =	swait.ge [sflag:s13], $0x200  }
0x1c: {  	[sflag:s13] =	ssyncset.done $0x0  }
0x1d: {  	s30 =	sadd.s32 s0, s19;
	[sflag:s13] =	ssyncadd.s32 $0xFFFFFE00  }
0x1e: {  	[tilespmem:s14], [sflag:$0x1] =	stream.strided.gather [hbm4b:s30+s11], $0x200, s12, s11, $0x38;
	[tilespmem:$0x10600] =	vst v63  }
0x1f: {  	_ =	swait.ge [sflag:s13], $0x200  }
0x20: {  	s31 =	sadd.s32 s8, s18;
	[sflag:s13] =	ssyncset.done $0x0  }
0x21: {  	s22 =	simm.s32 $0x0;
	s21 =	sshll.u32 s31, $0xF;
	[sflag:s13] =	ssyncadd.s32 $0xFFFFFE00  }
.LBB2_3:
0x22: {  	s23 =	sshll.u32 s22, $0xC  }
0x23: {  	s23 =	sadd.s32 s21, s23  }
0x24: {  	s24 =	sadd.s32 s1, s23  }
0x25: {  	[tilespmem:s12], [sflag:$0x1] =	stream.linear.gather [hbm4b:s24+s20], $0x8000, $0x38;
	[tilespmem:$0x10600] =	vst v63  }
0x26: {  	_ =	swait.ge [sflag:s13], $0x8000  }
0x27: {  	[sflag:s13] =	ssyncset.done $0x0  }
0x28: {  	s25 =	simm.s32 $0x0;
	s24 =	sshll.u32 s22, $0x6;
	[sflag:s13] =	ssyncadd.s32 $0xFFFF8000  }
.LBB2_4:
0x29: {  	s28 =	sadd.s32 s24, s25;
	s26 =	sand.u32 $0xF, s25  }
0x2a: {  	p0 =	seq.s32 s28, $0x0;
	p1 =	sne.s32 s26, $0x0  }
0x2b: {  	p0 =	por !p0, !p1  }
0x2c: {  	s26 =	simm.s32 $0xFFFFFFFF;
	p0 =	por !p0, !p0  }
0x2d: {  	s26 =	simm.s32 @!p0 $0x0  }
0x2e: {  	s26 =	sshll.u32 s26, $0x4  }
0x2f: {  	s26 =	sadd.s32 s28, s26  }
0x30: {  	s26 =	sand.u32 $0xFFFFFFF0, s26  }
0x31: {  	v36 =	vld [tilespmem:s26+$0x0];
	_ =	sdelay $0x2  }
0x32: {  	s29 =	sshll.u32 s25, $0x9;
	s30 =	sshll.u32 s25, $0x7;
	s26 =	ssub.s32 s28, s26  }
0x33: {  	v38 =	vld [tilespmem:$0x0];
	s29 =	sand.u32 $0x7000, s29;
	s30 =	sand.u32 $0x380, s30;
	v37 =	vmov s26  }
0x34: {  	v40 =	vld [tilespmem:$0x200];
	s31 =	sor.u32 s30, s29;
	v36 =	vperm.xlane v36, v37  }
0x35: {  	v39 =	vld [tilespmem:s31+$0x400]  }
0x36: {  	v37 =	vsub.f32 $1.000000000e+00, v36;
	_ =	sdelay $0x1  }
0x37: {  	v38 =	vsub.f32 v37, v38;
	_ =	sdelay $0x1  }
0x38: {  	v60 =	vmul.f32 v40, v36;
	v38 =	vmul.f32 v39, v38;
	_ =	sdelay $0x1  }
0x39: {  	v39 =	vadd.f32 v60, v38;
	v38 =	vmov s28  }
0x3a: {  	vm0 =	veq.s32 v38, v0  }
0x3b: {  	v39 =	vsel vm0, $0x0, v39  }
0x3c: {  	[tilespmem:s31+$0x8400] =	vst v39  }
0x3d: {  	v39 =	vld [tilespmem:$0x10]  }
0x3e: {  	v61 =	vld [tilespmem:s31+$0x410]  }
0x3f: {  	v41 =	vld [tilespmem:$0x210];
	_ =	sdelay $0x2  }
0x40: {  	v39 =	vsub.f32 v37, v39;
	_ =	sdelay $0x1  }
0x41: {  	v62 =	vmul.f32 v41, v36;
	v39 =	vmul.f32 v61, v39;
	_ =	sdelay $0x1  }
0x42: {  	v39 =	vadd.f32 v62, v39  }
0x43: {  	vm9 =	veq.s32 v38, v1  }
0x44: {  	v39 =	vsel vm9, $0x0, v39  }
0x45: {  	[tilespmem:s31+$0x8410] =	vst v39  }
0x46: {  	v39 =	vld [tilespmem:$0x20]  }
0x47: {  	v63 =	vld [tilespmem:s31+$0x420]  }
0x48: {  	v33 =	vld [tilespmem:$0x220];
	_ =	sdelay $0x2  }
0x49: {  	v39 =	vsub.f32 v37, v39;
	_ =	sdelay $0x1  }
0x4a: {  	v35 =	vmul.f32 v33, v36;
	v39 =	vmul.f32 v63, v39;
	_ =	sdelay $0x1  }
0x4b: {  	v39 =	vadd.f32 v35, v39  }
0x4c: {  	vm10 =	veq.s32 v38, v2  }
0x4d: {  	v39 =	vsel vm10, $0x0, v39  }
0x4e: {  	[tilespmem:s31+$0x8420] =	vst v39  }
0x4f: {  	v39 =	vld [tilespmem:$0x30]  }
0x50: {  	v44 =	vld [tilespmem:s31+$0x430]  }
0x51: {  	v45 =	vld [tilespmem:$0x230];
	_ =	sdelay $0x2  }
0x52: {  	v39 =	vsub.f32 v37, v39;
	_ =	sdelay $0x1  }
0x53: {  	v46 =	vmul.f32 v45, v36;
	v39 =	vmul.f32 v44, v39;
	_ =	sdelay $0x1  }
0x54: {  	v39 =	vadd.f32 v46, v39  }
0x55: {  	vm11 =	veq.s32 v38, v3  }
0x56: {  	v39 =	vsel vm11, $0x0, v39  }
0x57: {  	[tilespmem:s31+$0x8430] =	vst v39  }
0x58: {  	v39 =	vld [tilespmem:$0x40]  }
0x59: {  	v47 =	vld [tilespmem:s31+$0x440]  }
0x5a: {  	v48 =	vld [tilespmem:$0x240];
	_ =	sdelay $0x2  }
0x5b: {  	v39 =	vsub.f32 v37, v39;
	_ =	sdelay $0x1  }
0x5c: {  	v49 =	vmul.f32 v48, v36;
	v39 =	vmul.f32 v47, v39;
	_ =	sdelay $0x1  }
0x5d: {  	v39 =	vadd.f32 v49, v39  }
0x5e: {  	vm12 =	veq.s32 v38, v4  }
0x5f: {  	v39 =	vsel vm12, $0x0, v39  }
0x60: {  	[tilespmem:s31+$0x8440] =	vst v39  }
0x61: {  	v39 =	vld [tilespmem:$0x50]  }
0x62: {  	v50 =	vld [tilespmem:s31+$0x450]  }
0x63: {  	v51 =	vld [tilespmem:$0x250];
	_ =	sdelay $0x2  }
0x64: {  	v39 =	vsub.f32 v37, v39;
	_ =	sdelay $0x1  }
0x65: {  	v52 =	vmul.f32 v51, v36;
	v39 =	vmul.f32 v50, v39;
	_ =	sdelay $0x1  }
0x66: {  	v39 =	vadd.f32 v52, v39  }
0x67: {  	vm13 =	veq.s32 v38, v5  }
0x68: {  	v39 =	vsel vm13, $0x0, v39  }
0x69: {  	[tilespmem:s31+$0x8450] =	vst v39  }
0x6a: {  	v39 =	vld [tilespmem:$0x60]  }
0x6b: {  	v53 =	vld [tilespmem:s31+$0x460]  }
0x6c: {  	v54 =	vld [tilespmem:$0x260];
	_ =	sdelay $0x2  }
0x6d: {  	v39 =	vsub.f32 v37, v39;
	_ =	sdelay $0x1  }
0x6e: {  	v55 =	vmul.f32 v54, v36;
	v39 =	vmul.f32 v53, v39;
	_ =	sdelay $0x1  }
0x6f: {  	v39 =	vadd.f32 v55, v39  }
0x70: {  	vm14 =	veq.s32 v38, v6  }
0x71: {  	v39 =	vsel vm14, $0x0, v39  }
0x72: {  	[tilespmem:s31+$0x8460] =	vst v39  }
0x73: {  	v39 =	vld [tilespmem:$0x70]  }
0x74: {  	v56 =	vld [tilespmem:s31+$0x470]  }
0x75: {  	v57 =	vld [tilespmem:$0x270];
	_ =	sdelay $0x2  }
0x76: {  	v39 =	vsub.f32 v37, v39;
	_ =	sdelay $0x1  }
0x77: {  	v58 =	vmul.f32 v57, v36;
	v39 =	vmul.f32 v56, v39;
	_ =	sdelay $0x1  }
0x78: {  	v39 =	vadd.f32 v58, v39  }
0x79: {  	vm15 =	veq.s32 v38, v7  }
0x7a: {  	v39 =	vsel vm15, $0x0, v39  }
0x7b: {  	[tilespmem:s31+$0x8470] =	vst v39  }
0x7c: {  	v39 =	vld [tilespmem:$0x80]  }
0x7d: {  	v59 =	vld [tilespmem:s31+$0x800]  }
0x7e: {  	v60 =	vld [tilespmem:$0x280];
	_ =	sdelay $0x2  }
0x7f: {  	v39 =	vsub.f32 v37, v39;
	_ =	sdelay $0x1  }
0x80: {  	v61 =	vmul.f32 v60, v36;
	v39 =	vmul.f32 v59, v39;
	_ =	sdelay $0x1  }
0x81: {  	v39 =	vadd.f32 v61, v39  }
0x82: {  	vm4 =	veq.s32 v38, v8  }
0x83: {  	v39 =	vsel vm4, $0x0, v39  }
0x84: {  	[tilespmem:s31+$0x8800] =	vst v39  }
0x85: {  	v39 =	vld [tilespmem:$0x90]  }
0x86: {  	v62 =	vld [tilespmem:s31+$0x810]  }
0x87: {  	v63 =	vld [tilespmem:$0x290];
	_ =	sdelay $0x2  }
0x88: {  	v39 =	vsub.f32 v37, v39;
	_ =	sdelay $0x1  }
0x89: {  	v33 =	vmul.f32 v63, v36;
	v39 =	vmul.f32 v62, v39;
	_ =	sdelay $0x1  }
0x8a: {  	v39 =	vadd.f32 v33, v39  }
0x8b: {  	vm5 =	veq.s32 v38, v9  }
0x8c: {  	v39 =	vsel vm5, $0x0, v39  }
0x8d: {  	[tilespmem:s31+$0x8810] =	vst v39  }
0x8e: {  	v39 =	vld [tilespmem:$0xA0]  }
0x8f: {  	v35 =	vld [tilespmem:s31+$0x820]  }
0x90: {  	v44 =	vld [tilespmem:$0x2A0];
	_ =	sdelay $0x2  }
0x91: {  	v39 =	vsub.f32 v37, v39;
	_ =	sdelay $0x1  }
0x92: {  	v45 =	vmul.f32 v44, v36;
	v39 =	vmul.f32 v35, v39;
	_ =	sdelay $0x1  }
0x93: {  	v39 =	vadd.f32 v45, v39  }
0x94: {  	vm6 =	veq.s32 v38, v10  }
0x95: {  	v39 =	vsel vm6, $0x0, v39  }
0x96: {  	[tilespmem:s31+$0x8820] =	vst v39  }
0x97: {  	v39 =	vld [tilespmem:$0xB0]  }
0x98: {  	v46 =	vld [tilespmem:s31+$0x830]  }
0x99: {  	v47 =	vld [tilespmem:$0x2B0];
	_ =	sdelay $0x2  }
0x9a: {  	v39 =	vsub.f32 v37, v39;
	_ =	sdelay $0x1  }
0x9b: {  	v48 =	vmul.f32 v47, v36;
	v39 =	vmul.f32 v46, v39;
	_ =	sdelay $0x1  }
0x9c: {  	v39 =	vadd.f32 v48, v39  }
0x9d: {  	vm7 =	veq.s32 v38, v11  }
0x9e: {  	v39 =	vsel vm7, $0x0, v39  }
0x9f: {  	[tilespmem:s31+$0x8830] =	vst v39  }
0xa0: {  	v39 =	vld [tilespmem:$0xC0]  }
0xa1: {  	v49 =	vld [tilespmem:s31+$0x840]  }
0xa2: {  	v50 =	vld [tilespmem:$0x2C0];
	_ =	sdelay $0x2  }
0xa3: {  	v39 =	vsub.f32 v37, v39;
	_ =	sdelay $0x1  }
0xa4: {  	v51 =	vmul.f32 v50, v36;
	v39 =	vmul.f32 v49, v39;
	_ =	sdelay $0x1  }
0xa5: {  	v39 =	vadd.f32 v51, v39  }
0xa6: {  	vm8 =	veq.s32 v38, v12  }
0xa7: {  	v39 =	vsel vm8, $0x0, v39  }
0xa8: {  	[tilespmem:s31+$0x8840] =	vst v39  }
0xa9: {  	v39 =	vld [tilespmem:$0xD0]  }
0xaa: {  	v52 =	vld [tilespmem:s31+$0x850]  }
0xab: {  	v53 =	vld [tilespmem:$0x2D0];
	_ =	sdelay $0x2  }
0xac: {  	v39 =	vsub.f32 v37, v39;
	_ =	sdelay $0x1  }
0xad: {  	v54 =	vmul.f32 v53, v36;
	v39 =	vmul.f32 v52, v39;
	_ =	sdelay $0x1  }
0xae: {  	v39 =	vadd.f32 v54, v39  }
0xaf: {  	vm9 =	veq.s32 v38, v13  }
0xb0: {  	v39 =	vsel vm9, $0x0, v39  }
0xb1: {  	[tilespmem:s31+$0x8850] =	vst v39  }
0xb2: {  	v39 =	vld [tilespmem:$0xE0]  }
0xb3: {  	v55 =	vld [tilespmem:s31+$0x860]  }
0xb4: {  	v56 =	vld [tilespmem:$0x2E0];
	_ =	sdelay $0x2  }
0xb5: {  	v39 =	vsub.f32 v37, v39;
	_ =	sdelay $0x1  }
0xb6: {  	v57 =	vmul.f32 v56, v36;
	v39 =	vmul.f32 v55, v39;
	_ =	sdelay $0x1  }
0xb7: {  	v39 =	vadd.f32 v57, v39  }
0xb8: {  	vm10 =	veq.s32 v38, v14  }
0xb9: {  	v39 =	vsel vm10, $0x0, v39  }
0xba: {  	[tilespmem:s31+$0x8860] =	vst v39  }
0xbb: {  	v39 =	vld [tilespmem:$0xF0]  }
0xbc: {  	v58 =	vld [tilespmem:s31+$0x870]  }
0xbd: {  	v59 =	vld [tilespmem:$0x2F0];
	_ =	sdelay $0x2  }
0xbe: {  	v39 =	vsub.f32 v37, v39;
	_ =	sdelay $0x1  }
0xbf: {  	v60 =	vmul.f32 v59, v36;
	v39 =	vmul.f32 v58, v39;
	_ =	sdelay $0x1  }
0xc0: {  	v39 =	vadd.f32 v60, v39  }
0xc1: {  	vm11 =	veq.s32 v38, v15  }
0xc2: {  	v39 =	vsel vm11, $0x0, v39  }
0xc3: {  	[tilespmem:s31+$0x8870] =	vst v39  }
0xc4: {  	v39 =	vld [tilespmem:$0x100]  }
0xc5: {  	v61 =	vld [tilespmem:s31+$0xC00]  }
0xc6: {  	v62 =	vld [tilespmem:$0x300];
	_ =	sdelay $0x2  }
0xc7: {  	v39 =	vsub.f32 v37, v39;
	_ =	sdelay $0x1  }
0xc8: {  	v63 =	vmul.f32 v62, v36;
	v39 =	vmul.f32 v61, v39;
	_ =	sdelay $0x1  }
0xc9: {  	v39 =	vadd.f32 v63, v39  }
0xca: {  	vm12 =	veq.s32 v38, v16  }
0xcb: {  	v39 =	vsel vm12, $0x0, v39  }
0xcc: {  	[tilespmem:s31+$0x8C00] =	vst v39  }
0xcd: {  	v39 =	vld [tilespmem:$0x110]  }
0xce: {  	v33 =	vld [tilespmem:s31+$0xC10]  }
0xcf: {  	v35 =	vld [tilespmem:$0x310];
	_ =	sdelay $0x2  }
0xd0: {  	v39 =	vsub.f32 v37, v39;
	_ =	sdelay $0x1  }
0xd1: {  	v44 =	vmul.f32 v35, v36;
	v39 =	vmul.f32 v33, v39;
	_ =	sdelay $0x1  }
0xd2: {  	v39 =	vadd.f32 v44, v39  }
0xd3: {  	vm13 =	veq.s32 v38, v17  }
0xd4: {  	v39 =	vsel vm13, $0x0, v39  }
0xd5: {  	[tilespmem:s31+$0x8C10] =	vst v39  }
0xd6: {  	v39 =	vld [tilespmem:$0x120]  }
0xd7: {  	v45 =	vld [tilespmem:s31+$0xC20]  }
0xd8: {  	v46 =	vld [tilespmem:$0x320];
	_ =	sdelay $0x2  }
0xd9: {  	v39 =	vsub.f32 v37, v39;
	_ =	sdelay $0x1  }
0xda: {  	v47 =	vmul.f32 v46, v36;
	v39 =	vmul.f32 v45, v39;
	_ =	sdelay $0x1  }
0xdb: {  	v39 =	vadd.f32 v47, v39  }
0xdc: {  	vm14 =	veq.s32 v38, v18  }
0xdd: {  	v39 =	vsel vm14, $0x0, v39  }
0xde: {  	[tilespmem:s31+$0x8C20] =	vst v39  }
0xdf: {  	v39 =	vld [tilespmem:$0x130]  }
0xe0: {  	v48 =	vld [tilespmem:s31+$0xC30]  }
0xe1: {  	v49 =	vld [tilespmem:$0x330];
	_ =	sdelay $0x2  }
0xe2: {  	v39 =	vsub.f32 v37, v39;
	_ =	sdelay $0x1  }
0xe3: {  	v50 =	vmul.f32 v49, v36;
	v39 =	vmul.f32 v48, v39;
	_ =	sdelay $0x1  }
0xe4: {  	v39 =	vadd.f32 v50, v39  }
0xe5: {  	vm15 =	veq.s32 v38, v19  }
0xe6: {  	v39 =	vsel vm15, $0x0, v39  }
0xe7: {  	[tilespmem:s31+$0x8C30] =	vst v39  }
0xe8: {  	v39 =	vld [tilespmem:$0x140]  }
0xe9: {  	v51 =	vld [tilespmem:s31+$0xC40]  }
0xea: {  	v52 =	vld [tilespmem:$0x340];
	_ =	sdelay $0x2  }
0xeb: {  	v39 =	vsub.f32 v37, v39;
	_ =	sdelay $0x1  }
0xec: {  	v53 =	vmul.f32 v52, v36;
	v39 =	vmul.f32 v51, v39;
	_ =	sdelay $0x1  }
0xed: {  	v39 =	vadd.f32 v53, v39  }
0xee: {  	vm4 =	veq.s32 v38, v20  }
0xef: {  	v39 =	vsel vm4, $0x0, v39  }
0xf0: {  	[tilespmem:s31+$0x8C40] =	vst v39  }
0xf1: {  	v39 =	vld [tilespmem:$0x150]  }
0xf2: {  	v54 =	vld [tilespmem:s31+$0xC50]  }
0xf3: {  	v55 =	vld [tilespmem:$0x350];
	_ =	sdelay $0x2  }
0xf4: {  	v39 =	vsub.f32 v37, v39;
	_ =	sdelay $0x1  }
0xf5: {  	v56 =	vmul.f32 v55, v36;
	v39 =	vmul.f32 v54, v39;
	_ =	sdelay $0x1  }
0xf6: {  	v39 =	vadd.f32 v56, v39  }
0xf7: {  	vm5 =	veq.s32 v38, v21  }
0xf8: {  	v39 =	vsel vm5, $0x0, v39  }
0xf9: {  	[tilespmem:s31+$0x8C50] =	vst v39  }
0xfa: {  	v39 =	vld [tilespmem:$0x160]  }
0xfb: {  	v57 =	vld [tilespmem:s31+$0xC60]  }
0xfc: {  	v58 =	vld [tilespmem:$0x360];
	_ =	sdelay $0x2  }
0xfd: {  	v39 =	vsub.f32 v37, v39;
	_ =	sdelay $0x1  }
0xfe: {  	v59 =	vmul.f32 v58, v36;
	v39 =	vmul.f32 v57, v39;
	_ =	sdelay $0x1  }
0xff: {  	v39 =	vadd.f32 v59, v39  }
0x100: {  	vm6 =	veq.s32 v38, v22  }
0x101: {  	v39 =	vsel vm6, $0x0, v39  }
0x102: {  	[tilespmem:s31+$0x8C60] =	vst v39  }
0x103: {  	v39 =	vld [tilespmem:$0x170]  }
0x104: {  	v60 =	vld [tilespmem:s31+$0xC70]  }
0x105: {  	v61 =	vld [tilespmem:$0x370];
	_ =	sdelay $0x2  }
0x106: {  	v39 =	vsub.f32 v37, v39;
	_ =	sdelay $0x1  }
0x107: {  	v62 =	vmul.f32 v61, v36;
	v39 =	vmul.f32 v60, v39;
	_ =	sdelay $0x1  }
0x108: {  	v39 =	vadd.f32 v62, v39  }
0x109: {  	vm7 =	veq.s32 v38, v23  }
0x10a: {  	v39 =	vsel vm7, $0x0, v39  }
0x10b: {  	[tilespmem:s31+$0x8C70] =	vst v39  }
0x10c: {  	v39 =	vld [tilespmem:$0x180]  }
0x10d: {  	v63 =	vld [tilespmem:s31+$0x1000]  }
0x10e: {  	v33 =	vld [tilespmem:$0x380];
	_ =	sdelay $0x2  }
0x10f: {  	v39 =	vsub.f32 v37, v39;
	_ =	sdelay $0x1  }
0x110: {  	v35 =	vmul.f32 v33, v36;
	v39 =	vmul.f32 v63, v39;
	_ =	sdelay $0x1  }
0x111: {  	v39 =	vadd.f32 v35, v39  }
0x112: {  	vm8 =	veq.s32 v38, v24  }
0x113: {  	v39 =	vsel vm8, $0x0, v39  }
0x114: {  	[tilespmem:s31+$0x9000] =	vst v39  }
0x115: {  	v39 =	vld [tilespmem:$0x190]  }
0x116: {  	v44 =	vld [tilespmem:s31+$0x1010]  }
0x117: {  	v45 =	vld [tilespmem:$0x390];
	_ =	sdelay $0x2  }
0x118: {  	v39 =	vsub.f32 v37, v39;
	_ =	sdelay $0x1  }
0x119: {  	v46 =	vmul.f32 v45, v36;
	v39 =	vmul.f32 v44, v39;
	_ =	sdelay $0x1  }
0x11a: {  	v39 =	vadd.f32 v46, v39  }
0x11b: {  	vm9 =	veq.s32 v38, v25  }
0x11c: {  	v39 =	vsel vm9, $0x0, v39  }
0x11d: {  	[tilespmem:s31+$0x9010] =	vst v39  }
0x11e: {  	v39 =	vld [tilespmem:$0x1A0]  }
0x11f: {  	v47 =	vld [tilespmem:s31+$0x1020]  }
0x120: {  	v48 =	vld [tilespmem:$0x3A0];
	_ =	sdelay $0x2  }
0x121: {  	v39 =	vsub.f32 v37, v39;
	_ =	sdelay $0x1  }
0x122: {  	v49 =	vmul.f32 v48, v36;
	v39 =	vmul.f32 v47, v39;
	_ =	sdelay $0x1  }
0x123: {  	v39 =	vadd.f32 v49, v39  }
0x124: {  	vm10 =	veq.s32 v38, v26  }
0x125: {  	v39 =	vsel vm10, $0x0, v39  }
0x126: {  	[tilespmem:s31+$0x9020] =	vst v39  }
0x127: {  	v39 =	vld [tilespmem:$0x1B0]  }
0x128: {  	v50 =	vld [tilespmem:s31+$0x1030]  }
0x129: {  	v51 =	vld [tilespmem:$0x3B0];
	_ =	sdelay $0x2  }
0x12a: {  	v39 =	vsub.f32 v37, v39;
	_ =	sdelay $0x1  }
0x12b: {  	v52 =	vmul.f32 v51, v36;
	v39 =	vmul.f32 v50, v39;
	_ =	sdelay $0x1  }
0x12c: {  	v39 =	vadd.f32 v52, v39  }
0x12d: {  	vm11 =	veq.s32 v38, v27  }
0x12e: {  	v39 =	vsel vm11, $0x0, v39  }
0x12f: {  	[tilespmem:s31+$0x9030] =	vst v39  }
0x130: {  	v39 =	vld [tilespmem:$0x1C0]  }
0x131: {  	v53 =	vld [tilespmem:s31+$0x1040]  }
0x132: {  	v54 =	vld [tilespmem:$0x3C0];
	_ =	sdelay $0x2  }
0x133: {  	v39 =	vsub.f32 v37, v39;
	_ =	sdelay $0x1  }
0x134: {  	v55 =	vmul.f32 v54, v36;
	v39 =	vmul.f32 v53, v39;
	_ =	sdelay $0x1  }
0x135: {  	v39 =	vadd.f32 v55, v39  }
0x136: {  	vm12 =	veq.s32 v38, v28  }
0x137: {  	v39 =	vsel vm12, $0x0, v39  }
0x138: {  	[tilespmem:s31+$0x9040] =	vst v39  }
0x139: {  	v39 =	vld [tilespmem:$0x1D0]  }
0x13a: {  	v56 =	vld [tilespmem:s31+$0x1050]  }
0x13b: {  	v57 =	vld [tilespmem:$0x3D0];
	_ =	sdelay $0x2  }
0x13c: {  	v39 =	vsub.f32 v37, v39;
	_ =	sdelay $0x1  }
0x13d: {  	v58 =	vmul.f32 v57, v36;
	v39 =	vmul.f32 v56, v39;
	_ =	sdelay $0x1  }
0x13e: {  	v39 =	vadd.f32 v58, v39  }
0x13f: {  	vm13 =	veq.s32 v38, v30  }
0x140: {  	v39 =	vsel vm13, $0x0, v39  }
0x141: {  	[tilespmem:s31+$0x9050] =	vst v39  }
0x142: {  	v39 =	vld [tilespmem:$0x1E0]  }
0x143: {  	v59 =	vld [tilespmem:s31+$0x1060]  }
0x144: {  	v60 =	vld [tilespmem:$0x3E0];
	_ =	sdelay $0x2  }
0x145: {  	v39 =	vsub.f32 v37, v39;
	_ =	sdelay $0x1  }
0x146: {  	v61 =	vmul.f32 v60, v36;
	v39 =	vmul.f32 v59, v39;
	_ =	sdelay $0x1  }
0x147: {  	v39 =	vadd.f32 v61, v39  }
0x148: {  	vm14 =	veq.s32 v38, v32  }
0x149: {  	v39 =	vsel vm14, $0x0, v39  }
0x14a: {  	[tilespmem:s31+$0x9060] =	vst v39  }
0x14b: {  	v39 =	vld [tilespmem:$0x1F0]  }
0x14c: {  	v62 =	vld [tilespmem:s31+$0x1070]  }
0x14d: {  	v63 =	vld [tilespmem:$0x3F0];
	_ =	sdelay $0x2  }
0x14e: {  	v37 =	vsub.f32 v37, v39;
	_ =	sdelay $0x1  }
0x14f: {  	p0 =	sne.s32 s25, $0x3F;
	v36 =	vmul.f32 v63, v36;
	v37 =	vmul.f32 v62, v37  }
.Ltmp0:
0x150: {  	_ = 	snop;
	(pc) =	sbr.rel @p0 .LBB2_4-.Ltmp0, $4  }
0x151: {  	v36 =	vadd.f32 v36, v37  }
0x152: {  	vm15 =	veq.s32 v38, v34  }
0x153: {  	v36 =	vsel vm15, $0x0, v36  }
0x154: {  	s25 =	sadd.s32 $0x1, s25;
	[tilespmem:s31+$0x9070] =	vst v36  }
0x155: {  	s22 =	sadd.s32 $0x1, s22  }
0x156: {  	p0 =	sne.s32 s22, $0x8  }
.Ltmp1:
0x157: {  	s23 =	sadd.s32 s2, s23;
	(pc) =	sbr.rel @p0 .LBB2_3-.Ltmp1, $4  }
0x158: {  	[hbm4b:s23+s3] =	stream.linear.scatter [tilespmem:s15], [sflag:$0x1], $0x8000, $0x38;
	[tilespmem:$0x10600] =	vst v63  }
0x159: {  	_ =	swait.ge [sflag:s13], $0x8000  }
0x15a: {  	[sflag:s13] =	ssyncset.done $0x0  }
0x15b: {  	[sflag:s13] =	ssyncadd.s32 $0xFFFF8000  }
0x15c: {  	v29 =	vld [tilespmem:$0x0];
	_ =	sdelay $0x1  }
0x15d: {  	v37 =	vld [tilespmem:$0x10];
	_ =	sdelay $0x1  }
0x15e: {  	v38 =	vld [tilespmem:$0x20]  }
0x15f: {  	v39 =	vadd.f32 $0.0e+00, v29  }
0x160: {  	v40 =	vld [tilespmem:$0x30]  }
0x161: {  	v37 =	vadd.f32 v37, v39  }
0x162: {  	v61 =	vld [tilespmem:$0x40]  }
0x163: {  	v37 =	vadd.f32 v38, v37  }
0x164: {  	v62 =	vld [tilespmem:$0x50]  }
0x165: {  	v37 =	vadd.f32 v40, v37  }
0x166: {  	v63 =	vld [tilespmem:$0x60]  }
0x167: {  	v37 =	vadd.f32 v61, v37  }
0x168: {  	v33 =	vld [tilespmem:$0x70]  }
0x169: {  	v37 =	vadd.f32 v62, v37  }
0x16a: {  	v35 =	vld [tilespmem:$0x80]  }
0x16b: {  	v37 =	vadd.f32 v63, v37  }
0x16c: {  	v44 =	vld [tilespmem:$0x90]  }
0x16d: {  	v37 =	vadd.f32 v33, v37  }
0x16e: {  	v45 =	vld [tilespmem:$0xA0]  }
0x16f: {  	v37 =	vadd.f32 v35, v37  }
0x170: {  	v46 =	vld [tilespmem:$0xB0]  }
0x171: {  	v37 =	vadd.f32 v44, v37  }
0x172: {  	v47 =	vld [tilespmem:$0xC0]  }
0x173: {  	v37 =	vadd.f32 v45, v37  }
0x174: {  	v48 =	vld [tilespmem:$0xD0]  }
0x175: {  	v37 =	vadd.f32 v46, v37  }
0x176: {  	v49 =	vld [tilespmem:$0xE0]  }
0x177: {  	v37 =	vadd.f32 v47, v37  }
0x178: {  	v50 =	vld [tilespmem:$0xF0]  }
0x179: {  	v37 =	vadd.f32 v48, v37  }
0x17a: {  	v51 =	vld [tilespmem:$0x100]  }
0x17b: {  	v37 =	vadd.f32 v49, v37  }
0x17c: {  	v52 =	vld [tilespmem:$0x110]  }
0x17d: {  	v37 =	vadd.f32 v50, v37  }
0x17e: {  	v53 =	vld [tilespmem:$0x120]  }
0x17f: {  	v37 =	vadd.f32 v51, v37  }
0x180: {  	v54 =	vld [tilespmem:$0x130]  }
0x181: {  	v37 =	vadd.f32 v52, v37  }
0x182: {  	v55 =	vld [tilespmem:$0x140]  }
0x183: {  	v37 =	vadd.f32 v53, v37  }
0x184: {  	v56 =	vld [tilespmem:$0x150]  }
0x185: {  	v37 =	vadd.f32 v54, v37  }
0x186: {  	v57 =	vld [tilespmem:$0x160]  }
0x187: {  	v37 =	vadd.f32 v55, v37  }
0x188: {  	v41 =	vld [tilespmem:$0x170]  }
0x189: {  	v37 =	vadd.f32 v56, v37  }
0x18a: {  	v58 =	vld [tilespmem:$0x180]  }
0x18b: {  	v37 =	vadd.f32 v57, v37  }
0x18c: {  	v42 =	vld [tilespmem:$0x190]  }
0x18d: {  	v37 =	vadd.f32 v41, v37  }
0x18e: {  	v59 =	vld [tilespmem:$0x1A0]  }
0x18f: {  	v43 =	vld [tilespmem:$0x1B0];
	v37 =	vadd.f32 v58, v37  }
0x190: {  	v31 =	vld [tilespmem:$0xD0]  }
0x191: {  	v60 =	vld [tilespmem:$0x1C0];
	v37 =	vadd.f32 v42, v37  }
0x192: {  	v36 =	vld [tilespmem:$0xF0]  }
0x193: {  	[tilespmem:$0x1FF40] =	vst v29;
	v29 =	vld [tilespmem:$0x1FFC0];
	v37 =	vadd.f32 v59, v37  }
0x194: {  	v44 =	vld [tilespmem:$0x1D0]  }
0x195: {  	[tilespmem:$0x1FF50] =	vst v31;
	v31 =	vld [tilespmem:$0x2E0];
	v37 =	vadd.f32 v43, v37  }
0x196: {  	v61 =	vld [tilespmem:$0x1E0]  }
0x197: {  	[tilespmem:$0x1FF70] =	vst v36;
	v36 =	vld [tilespmem:$0x300];
	v37 =	vadd.f32 v60, v37  }
0x198: {  	v45 =	vld [tilespmem:$0x1F0]  }
0x199: {  	v39 =	vld [tilespmem:$0x40];
	v37 =	vadd.f32 v44, v37  }
0x19a: {  	v38 =	vld [tilespmem:$0x200]  }
0x19b: {  	v35 =	vld [tilespmem:$0xE0];
	v37 =	vadd.f32 v61, v37  }
0x19c: {  	v40 =	vld [tilespmem:$0x20]  }
0x19d: {  	v63 =	vld [tilespmem:$0xC0];
	v37 =	vadd.f32 v45, v37  }
0x19e: {  	v33 =	vld [tilespmem:$0x1FFF0]  }
0x19f: {  	v54 =	vperm.xlane v37, v29;
	v29 =	vld [tilespmem:$0x1FFD0]  }
0x1a0: {  	[tilespmem:$0x1FF60] =	vst v35;
	v35 =	vld [tilespmem:$0x2F0]  }
0x1a1: {  	v46 =	vld [tilespmem:$0x210]  }
0x1a2: {  	v47 =	vld [tilespmem:$0x220];
	v37 =	vadd.f32 v54, v37  }
0x1a3: {  	v48 =	vld [tilespmem:$0x230]  }
0x1a4: {  	v58 =	vperm.xlane v37, v29;
	v29 =	vld [tilespmem:$0x1FFE0]  }
0x1a5: {  	v49 =	vld [tilespmem:$0x240]  }
0x1a6: {  	v50 =	vld [tilespmem:$0x250]  }
0x1a7: {  	v51 =	vld [tilespmem:$0x260];
	v37 =	vadd.f32 v58, v37  }
0x1a8: {  	v52 =	vld [tilespmem:$0x270]  }
0x1a9: {  	v53 =	vld [tilespmem:$0x280];
	v62 =	vperm.xlane v37, v29  }
0x1aa: {  	v55 =	vld [tilespmem:$0x80]  }
0x1ab: {  	v56 =	vld [tilespmem:$0x290];
	v37 =	vadd.f32 v62, v37  }
0x1ac: {  	v57 =	vld [tilespmem:$0x2A0]  }
0x1ad: {  	v41 =	vld [tilespmem:$0x60];
	v33 =	vperm.xlane v37, v33  }
0x1ae: {  	v42 =	vld [tilespmem:$0x10]  }
0x1af: {  	v59 =	vld [tilespmem:$0xA0];
	v33 =	vadd.f32 v33, v37  }
0x1b0: {  	v37 =	vld [tilespmem:$0x1FF40]  }
0x1b1: {  	v43 =	vld [tilespmem:$0x30];
	v33 =	vsub.f32 $1.000000000e+00, v33  }
0x1b2: {  	v62 =	vld [tilespmem:$0x100]  }
0x1b3: {  	v60 =	vld [tilespmem:$0x2B0];
	v38 =	vmul.f32 v33, v38  }
0x1b4: {  	v44 =	vld [tilespmem:$0x50]  }
0x1b5: {  	v38 =	vadd.f32 v38, v37;
	v37 =	vld [tilespmem:$0x120]  }
0x1b6: {  	v61 =	vld [tilespmem:$0x2C0]  }
0x1b7: {  	[tilespmem:$0x1FF90] =	vst v62;
	v62 =	vld [tilespmem:$0x310]  }
0x1b8: {  	v45 =	vld [tilespmem:$0x70]  }
0x1b9: {  	v54 =	vld [tilespmem:$0x90]  }
0x1ba: {  	v58 =	vld [tilespmem:$0xB0];
	[tilespmem:$0x1FFB0] =	vst v37;
	v37 =	vmul.f32 v49, v33  }
0x1bb: {  	v29 =	vld [tilespmem:$0x2D0];
	v46 =	vmul.f32 v46, v33;
	v47 =	vmul.f32 v47, v33  }
0x1bc: {  	v51 =	vmul.f32 v51, v33;
	[tilespmem:$0x1FF80] =	vst v62;
	v62 =	vld [tilespmem:$0x110];
	v49 =	vmul.f32 v50, v33;
	v50 =	vadd.f32 v39, v37  }
0x1bd: {  	v42 =	vadd.f32 v42, v46;
	v46 =	vmul.f32 v48, v33;
	v48 =	vld [tilespmem:$0x330];
	[tilespmem:$0x10400] =	vst v38  }
0x1be: {  	v38 =	vadd.f32 v40, v47;
	v47 =	vld [tilespmem:$0x130];
	[tilespmem:$0x10440] =	vst v50;
	v50 =	vadd.f32 v41, v51;
	v51 =	vmul.f32 v53, v33  }
0x1bf: {  	[tilespmem:$0x10410] =	vst v42;
	v42 =	vadd.f32 v43, v46;
	v46 =	vld [tilespmem:$0x340]  }
0x1c0: {  	v40 =	vld [tilespmem:$0x140];
	v53 =	vadd.f32 v55, v51  }
0x1c1: {  	v43 =	vld [tilespmem:$0x380];
	[tilespmem:$0x10430] =	vst v42;
	v42 =	vadd.f32 v44, v49;
	v49 =	vmul.f32 v52, v33;
	v52 =	vmul.f32 v56, v33  }
0x1c2: {  	[tilespmem:$0x10480] =	vst v53;
	v53 =	vld [tilespmem:$0x1FF50]  }
0x1c3: {  	v56 =	vadd.f32 v54, v52;
	v54 =	vld [tilespmem:$0x1FF60]  }
0x1c4: {  	[tilespmem:$0x10420] =	vst v38;
	v38 =	vld [tilespmem:$0x190]  }
0x1c5: {  	v29 =	vmul.f32 v29, v33;
	[tilespmem:$0x1FFA0] =	vst v62;
	v62 =	vld [tilespmem:$0x320]  }
0x1c6: {  	v31 =	vmul.f32 v31, v33;
	v44 =	vld [tilespmem:$0x350]  }
0x1c7: {  	v39 =	vld [tilespmem:$0x180];
	v29 =	vadd.f32 v53, v29  }
0x1c8: {  	v37 =	vld [tilespmem:$0x3A0];
	v31 =	vadd.f32 v54, v31  }
0x1c9: {  	[tilespmem:$0x104D0] =	vst v29;
	v29 =	vld [tilespmem:$0x1FF70]  }
0x1ca: {  	[tilespmem:$0x104E0] =	vst v31;
	v31 =	vld [tilespmem:$0x1FF90]  }
0x1cb: {  	v41 =	vld [tilespmem:$0x150]  }
0x1cc: {  	v35 =	vmul.f32 v35, v33;
	[tilespmem:$0x10450] =	vst v42;
	v42 =	vadd.f32 v45, v49;
	v45 =	vld [tilespmem:$0x360];
	v55 =	vmul.f32 v57, v33  }
0x1cd: {  	v36 =	vmul.f32 v36, v33;
	v49 =	vld [tilespmem:$0x160]  }
0x1ce: {  	v59 =	vadd.f32 v59, v55;
	v55 =	vld [tilespmem:$0x1FF80];
	v29 =	vadd.f32 v29, v35  }
0x1cf: {  	[tilespmem:$0x10460] =	vst v50;
	v50 =	vld [tilespmem:$0x370];
	v31 =	vadd.f32 v31, v36  }
0x1d0: {  	[tilespmem:$0x104F0] =	vst v29;
	v29 =	vld [tilespmem:$0x1FFA0]  }
0x1d1: {  	v57 =	vmul.f32 v60, v33;
	[tilespmem:$0x10500] =	vst v31;
	v31 =	vld [tilespmem:$0x1FFB0]  }
0x1d2: {  	[tilespmem:$0x10470] =	vst v42;
	v60 =	vmul.f32 v61, v33;
	v51 =	vld [tilespmem:$0x170]  }
0x1d3: {  	[tilespmem:$0x10490] =	vst v56;
	v42 =	vld [tilespmem:$0x390];
	v61 =	vadd.f32 v58, v57;
	v35 =	vmul.f32 v55, v33  }
0x1d4: {  	v56 =	vmul.f32 v62, v33;
	v52 =	vadd.f32 v63, v60;
	v58 =	vld [tilespmem:$0x3B0];
	[tilespmem:$0x104A0] =	vst v59  }
0x1d5: {  	v57 =	vmul.f32 v48, v33;
	v63 =	vld [tilespmem:$0x1C0];
	[tilespmem:$0x104B0] =	vst v61;
	v29 =	vadd.f32 v29, v35  }
0x1d6: {  	[tilespmem:$0x104C0] =	vst v52;
	v52 =	vld [tilespmem:$0x1A0];
	v59 =	vmul.f32 v46, v33;
	v31 =	vadd.f32 v31, v56  }
0x1d7: {  	v60 =	vmul.f32 v44, v33;
	v46 =	vld [tilespmem:$0x1B0];
	[tilespmem:$0x10510] =	vst v29;
	v29 =	vadd.f32 v47, v57  }
0x1d8: {  	v62 =	vmul.f32 v45, v33;
	v61 =	vld [tilespmem:$0x3C0];
	[tilespmem:$0x10520] =	vst v31;
	v31 =	vadd.f32 v40, v59  }
0x1d9: {  	v45 =	vmul.f32 v50, v33;
	v53 =	vld [tilespmem:$0x1D0];
	[tilespmem:$0x10530] =	vst v29;
	v29 =	vadd.f32 v41, v60  }
0x1da: {  	v50 =	vmul.f32 v43, v33;
	[tilespmem:$0x10540] =	vst v31;
	v31 =	vadd.f32 v49, v62;
	v47 =	vld [tilespmem:$0x3D0]  }
0x1db: {  	v54 =	vmul.f32 v42, v33;
	v55 =	vld [tilespmem:$0x3E0];
	[tilespmem:$0x10550] =	vst v29;
	v29 =	vadd.f32 v51, v45  }
0x1dc: {  	v56 =	vmul.f32 v37, v33;
	[tilespmem:$0x10560] =	vst v31;
	v31 =	vadd.f32 v39, v50;
	v57 =	vld [tilespmem:$0x3F0]  }
0x1dd: {  	v58 =	vmul.f32 v58, v33;
	v59 =	vld [tilespmem:$0x1E0];
	[tilespmem:$0x10570] =	vst v29;
	v29 =	vadd.f32 v38, v54  }
0x1de: {  	[tilespmem:$0x10580] =	vst v31;
	v31 =	vadd.f32 v52, v56;
	v60 =	vmul.f32 v61, v33;
	v61 =	vld [tilespmem:$0x1F0]  }
0x1df: {  	v62 =	vmul.f32 v47, v33;
	[tilespmem:$0x10590] =	vst v29;
	v29 =	vadd.f32 v46, v58  }
0x1e0: {  	[tilespmem:$0x105A0] =	vst v31;
	v31 =	vadd.f32 v63, v60;
	v63 =	vmul.f32 v55, v33  }
0x1e1: {  	v33 =	vmul.f32 v57, v33;
	[tilespmem:$0x105B0] =	vst v29;
	v29 =	vadd.f32 v53, v62  }
0x1e2: {  	[tilespmem:$0x105C0] =	vst v31;
	v31 =	vadd.f32 v59, v63  }
0x1e3: {  	s18 =	sadd.s32 $0x1, s18;
	[tilespmem:$0x105D0] =	vst v29;
	v29 =	vadd.f32 v61, v33  }
0x1e4: {  	p0 =	sne.s32 s18, $0x8;
	[tilespmem:$0x105E0] =	vst v31  }
.Ltmp2:
0x1e5: {  	s19 =	sadd.s32 s7, s19;
	[tilespmem:$0x105F0] =	vst v29;
	(pc) =	sbr.rel @p0 .LBB2_2-.Ltmp2, $4  }
0x1e6: {  	[hbm4b:s19+s11] =	stream.strided.scatter [tilespmem:s16], [sflag:$0x1], $0x200, s12, s11, $0x38;
	[tilespmem:$0x10600] =	vst v63  }
0x1e7: {  	_ =	swait.ge [sflag:s13], $0x200  }
0x1e8: {  	[sflag:s13] =	ssyncset.done $0x0  }
0x1e9: {  	[sflag:s13] =	ssyncadd.s32 $0xFFFFFE00  }
0x1ea: {  	s17 =	sadd.s32 $0x1, s17  }
0x1eb: {  	p0 =	sne.s32 s17, s10  }
.Ltmp3:
0x1ec: {  	_ = 	snop;
	(pc) =	sbr.rel @p0 .LBB2_1-.Ltmp3, $1  }
0x1ed: {  	_ =	sdelay $0x3  }
0x1ee: {  	_ =	sfence.sel $0x180000  }
0x1ef: {  	[bflag:$0x0] =	sbarrier.arrive $0xFFFF  }
0x1f0: {  	p0 =	sne.s32 s6, $0x0;
	_ =	strace $0x90000047  }
0x1f1: {  	s0 =	sadd.s32 @!p0 $0x100000, s4;
	[bflag:$0x2] =	sbarrier.arrive $0xFFFF  }
0x1f2: {  	[sflag:s0] =	ssyncadd.tile.s32 @!p0 $0x1;
	_ =	shalt  }
.Lfunc_end2:
_tile_overlayer_lowered:
.L_overlay_start_2:
0x1f3: {  	(tag) =	ssettag $0x2  }
0x1f4: {  	s0 =	rddreg [dreg:$0x0];
	s2 =	stileid.u32  }
0x1f5: {  	s1 =	rddreg [dreg:$0x1];
	p0 =	sne.s32 s2, $0x0  }
0x1f6: {  	s3 =	rddreg [dreg:$0x2];
	[bflag:$0x3] =	sbarrier.arrive $0xFFFF;
	s2 =	simm.s32 @!p0 $0x1C01  }
0x1f7: {  	[timem:s3], [sflag:s2] =	dma.local @!p0 [hbm:s0], s1  }
0x1f8: {  	s0 =	simm.s32 @!p0 $0x1  }
0x1f9: {  	_ =	swait.ge @!p0 [sflag:s0], s1  }
0x1fa: {  	s1 =	ssub.s32 @!p0 $0x0, s1;
	[sflag:s0] =	ssyncset.done @!p0 $0x0  }
0x1fb: {  	[sflag:s0] =	ssyncadd.s32 @!p0 s1  }
0x1fc: {  	[bflag:$0x3] =	sbarrier.arrive $0xFFFF  }
0x1fd: {  	_ =	shalt  }

</sc_bundles>
